<compile_context>
chip_gen: v7x
topology: tpu7x:2x2x1
jax: 0.10.2.dev20260603
libtpu: 0.0.44.dev20260713+nightly
codegen_flags: <defaults>
</compile_context>

<pallas_src>
import functools

import jax
import jax.numpy as jnp
from jax import lax
from jax.experimental import pallas as pl
from jax.experimental.pallas import tpu as pltpu
from jax.experimental.pallas import tpu_sc as plsc

_STRIDE = 4
_GRID = 16
_N = 16384
_M = 4096
_C = 16
_NSEG = _GRID ** 3

_BM = 1024
_BN = 4096

_TILES = 16
_PTS_PER_TILE = _M // _TILES
_SEG_PER_TILE = _NSEG // _TILES


def _spt_body(dt_ref, spt_ref):
    d = dt_ref[...]
    mn = jnp.min(d, axis=1, keepdims=True)
    mx = jnp.max(d, axis=1, keepdims=True)
    cell = (d - mn) / (mx - mn + 1e-6)
    ij = jnp.clip((cell * _GRID).astype(jnp.int32), 0, _GRID - 1)
    spt_ref[...] = (ij[0, :] * (_GRID * _GRID) + ij[1, :] * _GRID + ij[2, :])


def _spt_ids(dt):
    return pl.pallas_call(
        _spt_body,
        out_shape=jax.ShapeDtypeStruct((_M,), jnp.int32),
    )(dt)


def _nn_body(a_ref, pt_ref, jif_ref, idx_ref, minv):
    j = pl.program_id(1)

    @pl.when(j == 0)
    def _init():
        minv[...] = jnp.full((_BM, 1), jnp.inf, jnp.float32)
        idx_ref[...] = jnp.zeros((_BM, 1), jnp.int32)

    a = a_ref[...]
    pt = pt_ref[...]
    b2 = jnp.sum(pt * pt, axis=0)
    dot = lax.dot_general(a, pt, (((1,), (0,)), ((), ())),
                          preferred_element_type=jnp.float32)
    v = b2[None, :] - 2.0 * dot
    lmin = jnp.min(v, axis=1, keepdims=True)
    cand = jnp.where(v == lmin, jif_ref[...], jnp.float32(2.0 * _N))
    larg = jnp.min(cand, axis=1, keepdims=True).astype(jnp.int32) + j * _BN
    upd = lmin < minv[...]
    minv[...] = jnp.where(upd, lmin, minv[...])
    idx_ref[...] = jnp.where(upd, larg, idx_ref[...])


def _nn_argmin(d_points, pt):
    jif = jnp.arange(_BN, dtype=jnp.float32)[None, :]
    return pl.pallas_call(
        _nn_body,
        grid=(_M // _BM, _N // _BN),
        in_specs=[
            pl.BlockSpec((_BM, 3), lambda i, j: (i, 0)),
            pl.BlockSpec((3, _BN), lambda i, j: (0, j)),
            pl.BlockSpec((1, _BN), lambda i, j: (0, 0)),
        ],
        out_specs=pl.BlockSpec((_BM, 1), lambda i, j: (i, 0)),
        out_shape=jax.ShapeDtypeStruct((_M, 1), jnp.int32),
        scratch_shapes=[pltpu.VMEM((_BM, 1), jnp.float32)],
    )(d_points, pt, jif)


def _sc_body(scores_hbm, idx_hbm, spt_hbm, lbl_hbm,
             idx2_v, spt2_v, spt_v, rows_v, zeros_v, ones_v,
             segv, cntv, lblseg_v, lbltab_v, out_v,
             seg_sh, cnt_sh, lbl_sh, sem):
    cid = lax.axis_index("c")
    sid = lax.axis_index("s")

    @pl.when(cid == 0)
    def _body():
        base = sid * _PTS_PER_TILE
        sbase = sid * _SEG_PER_TILE
        for h in range(2):
            pltpu.sync_copy(idx_hbm.at[pl.ds(base + h * 128, 128)], idx2_v.at[h])
            pltpu.sync_copy(spt_hbm.at[pl.ds(base + h * 128, 128)], spt2_v.at[h])
        pltpu.sync_copy(spt_hbm.at[pl.ds(base, _PTS_PER_TILE)], spt_v)

        def _fill(i, carry):
            zeros_v[i] = jnp.zeros((_C,), jnp.float32)
            ones_v[i] = jnp.ones((_C,), jnp.float32)
            return carry
        lax.fori_loop(0, _PTS_PER_TILE, _fill, 0)

        for h in range(2):
            pltpu.async_copy(scores_hbm.at[idx2_v.at[h]],
                             rows_v.at[pl.ds(h * 128, 128)], sem).wait()

        pltpu.sync_copy(zeros_v, seg_sh.at[pl.ds(sbase, _SEG_PER_TILE)])
        pltpu.sync_copy(zeros_v, cnt_sh.at[pl.ds(sbase, _SEG_PER_TILE)])
        plsc.subcore_barrier()

        for h in range(2):
            pltpu.sync_copy(rows_v.at[pl.ds(h * 128, 128)],
                            seg_sh.at[spt2_v.at[h]], add=True)
            pltpu.sync_copy(ones_v.at[pl.ds(h * 128, 128)],
                            cnt_sh.at[spt2_v.at[h]], add=True)
        plsc.subcore_barrier()

        pltpu.sync_copy(seg_sh.at[pl.ds(sbase, _SEG_PER_TILE)], segv)
        pltpu.sync_copy(cnt_sh.at[pl.ds(sbase, _SEG_PER_TILE)], cntv)
        iota16 = lax.iota(jnp.int32, 16)

        def _seg_group(g, carry):
            def _one_seg(j, acc):
                s = g * 16 + j
                mean = segv[s] / jnp.maximum(cntv[s], 1.0)
                m = jnp.max(mean)
                lab = plsc.all_reduce_ffs(mean == m)
                return jnp.where(iota16 == j, lab, acc)
            acc = lax.fori_loop(0, 16, _one_seg, jnp.zeros((16,), jnp.int32))
            lblseg_v[pl.ds(g * 16, 16)] = acc
            return carry
        lax.fori_loop(0, _SEG_PER_TILE // 16, _seg_group, 0)
        pltpu.sync_copy(lblseg_v, lbl_sh.at[pl.ds(sbase, _SEG_PER_TILE)])
        plsc.subcore_barrier()

        pltpu.sync_copy(lbl_sh, lbltab_v)

        def _out_group(g, carry):
            s16 = spt_v[pl.ds(g * 16, 16)]
            out_v[pl.ds(g * 16, 16)] = plsc.load_gather(lbltab_v, [s16])
            return carry
        lax.fori_loop(0, _PTS_PER_TILE // 16, _out_group, 0)
        pltpu.sync_copy(out_v, lbl_hbm.at[pl.ds(base, _PTS_PER_TILE)])


def _sc_labels(scores, indices, sptids):
    mesh = plsc.VectorSubcoreMesh(core_axis_name="c", subcore_axis_name="s")
    kfn = functools.partial(
        pl.kernel,
        mesh=mesh,
        compiler_params=pltpu.CompilerParams(
            needs_layout_passes=False, use_tc_tiling_on_sc=False),
        out_type=jax.ShapeDtypeStruct((_M,), jnp.int32),
        scratch_types=[
            pltpu.VMEM((2, 128), jnp.int32),
            pltpu.VMEM((2, 128), jnp.int32),
            pltpu.VMEM((_PTS_PER_TILE,), jnp.int32),
            pltpu.VMEM((_PTS_PER_TILE, _C), jnp.float32),
            pltpu.VMEM((_PTS_PER_TILE, _C), jnp.float32),
            pltpu.VMEM((_PTS_PER_TILE, _C), jnp.float32),
            pltpu.VMEM((_SEG_PER_TILE, _C), jnp.float32),
            pltpu.VMEM((_SEG_PER_TILE, _C), jnp.float32),
            pltpu.VMEM((_SEG_PER_TILE,), jnp.int32),
            pltpu.VMEM((_NSEG,), jnp.int32),
            pltpu.VMEM((_PTS_PER_TILE,), jnp.int32),
            pltpu.VMEM_SHARED((_NSEG, _C), jnp.float32),
            pltpu.VMEM_SHARED((_NSEG, _C), jnp.float32),
            pltpu.VMEM_SHARED((_NSEG,), jnp.int32),
            pltpu.SemaphoreType.DMA,
        ],
    )(_sc_body)
    return kfn(scores, indices, sptids)


def kernel(points, normals, scores):
    d_points = points[::_STRIDE]
    sptids = _spt_ids(d_points.T)
    indices = _nn_argmin(d_points, points.T)[:, 0]
    labels = _sc_labels(scores, indices, sptids)
    return (d_points, labels[:, None])

# --- scband reference (transcript-rebuilt; emitter-appended) ---
"""Pipeline reference for scband-po-vot-77773267796751 (READ-ONLY COPY).

The authoritative reference and input builder live on the scoring server;
editing this copy changes nothing except your own understanding.
"""

import jax, jax.numpy as jnp
import numpy as np

STRIDE = 4
GRID = 16
NUM_SEG = GRID ** 3


def setup_inputs(seed: int = 0) -> dict:
    key = jax.random.key(seed)
    k1, k2, k3 = jax.random.split(key, 3)
    points = jax.random.normal(k1, (16384, 3), dtype=jnp.float32)
    normals = jax.random.normal(k2, (16384, 3), dtype=jnp.float32)
    scores = jax.random.normal(k3, (16384, 16), dtype=jnp.float32)
    return {"points": points, "normals": normals, "scores": scores}


def _cdist_sq(a, b):
    # squared euclidean distances, matches torch.cdist(...)**2 up to fp error
    a2 = jnp.sum(a * a, axis=1, keepdims=True)
    b2 = jnp.sum(b * b, axis=1, keepdims=True).T
    return a2 + b2 - 2.0 * (a @ b.T)


def _superpoint_ids(d_points):
    # deterministic stand-in for get_super_point_cloud: voxel-grid bucketing
    mn = jnp.min(d_points, axis=0)
    mx = jnp.max(d_points, axis=0)
    cell = (d_points - mn) / (mx - mn + 1e-6)
    ij = jnp.clip((cell * GRID).astype(jnp.int32), 0, GRID - 1)
    return ij[:, 0] * GRID * GRID + ij[:, 1] * GRID + ij[:, 2]


def reference(points, normals, scores):
    # superpoint subsample (stand-in for mesh-based downsampling; normals unused downstream)
    d_points = points[::STRIDE]
    sptids = _superpoint_ids(d_points)
    # assign_features: 1-NN retrieval from d_points into points, gather scores
    dist = _cdist_sq(d_points, points)
    indices = jnp.argmin(dist, axis=1)
    assigned = jnp.take(scores, indices, axis=0)
    # per-superpoint mean of assigned scores, then argmax -> label per superpoint,
    # broadcast back to every d_point in that superpoint (vectorized form of the python loop)
    seg_sum = jax.ops.segment_sum(assigned, sptids, num_segments=NUM_SEG)
    counts = jax.ops.segment_sum(jnp.ones((assigned.shape[0],), dtype=jnp.float32), sptids, num_segments=NUM_SEG)
    seg_mean = seg_sum / jnp.maximum(counts, 1.0)[:, None]
    seg_labels = jnp.argmax(seg_mean, axis=1).astype(jnp.int32)
    labels = jnp.take(seg_labels, sptids, axis=0)[:, None]
    return (d_points, labels)

if __name__ == "__main__":
    import jax
    _d = setup_inputs()
    print(jax.jit(kernel)(*tuple(_d.values())))

</pallas_src>

<mosaic_0001>
#map = affine_map<(d0, d1) -> (0, 0)>
#map1 = affine_map<(d0, d1) -> (0)>
module attributes {stable_mosaic.version = 14 : i64} {
  func.func @_sc_body(%arg0: i32, %arg1: i32, %arg2: memref<16384x16xf32, #tpu.memory_space<hbm>>, %arg3: memref<4096xi32, #tpu.memory_space<hbm>>, %arg4: memref<4096xi32, #tpu.memory_space<hbm>>, %arg5: memref<4096xi32, #tpu.memory_space<hbm>>, %arg6: memref<2x128xi32, #tpu.memory_space<vmem>>, %arg7: memref<2x128xi32, #tpu.memory_space<vmem>>, %arg8: memref<256xi32, #tpu.memory_space<vmem>>, %arg9: memref<256x16xf32, #tpu.memory_space<vmem>>, %arg10: memref<256x16xf32, #tpu.memory_space<vmem>>, %arg11: memref<256x16xf32, #tpu.memory_space<vmem>>, %arg12: memref<256x16xf32, #tpu.memory_space<vmem>>, %arg13: memref<256x16xf32, #tpu.memory_space<vmem>>, %arg14: memref<256xi32, #tpu.memory_space<vmem>>, %arg15: memref<4096xi32, #tpu.memory_space<vmem>>, %arg16: memref<256xi32, #tpu.memory_space<vmem>>, %arg17: memref<4096x16xf32, #tpu.memory_space<vmem_shared>>, %arg18: memref<4096x16xf32, #tpu.memory_space<vmem_shared>>, %arg19: memref<4096xi32, #tpu.memory_space<vmem_shared>>, %arg20: memref<!tpu.dma_semaphore, #tpu.memory_space<semaphore_mem>>) attributes {dimension_semantics = [#tpu.dimension_semantics<core_parallel>, #tpu.dimension_semantics<subcore_parallel>], iteration_bounds = array<i64: 2, 16>, scalar_prefetch = 0 : i64, scratch_operands = 15 : i64, tpu.core_type = #tpu.core_type<sc_vector_subcore>, window_params = [{transform_indices = #map}, {transform_indices = #map1}, {transform_indices = #map1}, {transform_indices = #map1}]} {
    %eq3A = arith.constant 0 : i32
    %eq3A_0 = arith.cmpi eq, %arg0, %eq3A : i32
    %convert_element_type3A = arith.extui %eq3A_0 : i1 to i32
    %cond3A = arith.constant 0 : i32
    %cond3A_1 = arith.cmpi ne, %convert_element_type3A, %cond3A : i32
    scf.if %cond3A_1 {
      %mul3A = arith.constant 256 : i32
      %mul3A_2 = arith.muli %arg1, %mul3A : i32
      %mul3A_3 = arith.constant 256 : i32
      %mul3A_4 = arith.muli %arg1, %mul3A_3 : i32
      %add3A = arith.constant 0 : i32
      %add3A_5 = arith.addi %mul3A_2, %add3A : i32
      %run_scoped3A = arith.constant 0 : i32
      "tpu.region"() ({
        %run_scoped3A_76 = tpu.sem_alloc : memref<!tpu.dma_semaphore, #tpu.memory_space<semaphore_mem>>
        %dma_start3A_77 = arith.constant 0 : i32
        %dma_start3A_78 = tpu.memref_slice %arg6[%run_scoped3A, %dma_start3A_77] : memref<2x128xi32, #tpu.memory_space<vmem>> -> memref<1x128xi32, #tpu.memory_space<vmem>>
        %dma_start3A_79 = tpu.memref_squeeze %dma_start3A_78 : memref<1x128xi32, #tpu.memory_space<vmem>> -> memref<128xi32, #tpu.memory_space<vmem>>
        %dma_start3A_80 = tpu.memref_slice %arg3[%add3A_5] : memref<4096xi32, #tpu.memory_space<hbm>> -> memref<128xi32, #tpu.memory_space<hbm>>
        %dma_start3A_81 = arith.constant 0 : i32
        %dma_start3A_82 = tpu.memref_slice %arg6[%run_scoped3A, %dma_start3A_81] : memref<2x128xi32, #tpu.memory_space<vmem>> -> memref<1x128xi32, #tpu.memory_space<vmem>>
        %dma_start3A_83 = tpu.memref_squeeze %dma_start3A_82 : memref<1x128xi32, #tpu.memory_space<vmem>> -> memref<128xi32, #tpu.memory_space<vmem>>
        %dma_start3A_84 = tpu.memref_slice %arg3[%add3A_5] : memref<4096xi32, #tpu.memory_space<hbm>> -> memref<128xi32, #tpu.memory_space<hbm>>
        tpu.enqueue_dma source(%dma_start3A_84 : memref<128xi32, #tpu.memory_space<hbm>>) target(%dma_start3A_83 : memref<128xi32, #tpu.memory_space<vmem>>) target_semaphore(%run_scoped3A_76 : memref<!tpu.dma_semaphore, #tpu.memory_space<semaphore_mem>>)
        %dma_wait3A_85 = arith.constant 0 : i32
        %dma_wait3A_86 = tpu.memref_slice %arg6[%run_scoped3A, %dma_wait3A_85] : memref<2x128xi32, #tpu.memory_space<vmem>> -> memref<1x128xi32, #tpu.memory_space<vmem>>
        %dma_wait3A_87 = tpu.memref_squeeze %dma_wait3A_86 : memref<1x128xi32, #tpu.memory_space<vmem>> -> memref<128xi32, #tpu.memory_space<vmem>>
        %dma_wait3A_88 = tpu.memref_slice %arg3[%add3A_5] : memref<4096xi32, #tpu.memory_space<hbm>> -> memref<128xi32, #tpu.memory_space<hbm>>
        %dma_wait3A_89 = arith.constant 0 : i32
        %dma_wait3A_90 = tpu.memref_slice %arg6[%run_scoped3A, %dma_wait3A_89] : memref<2x128xi32, #tpu.memory_space<vmem>> -> memref<1x128xi32, #tpu.memory_space<vmem>>
        %dma_wait3A_91 = tpu.memref_squeeze %dma_wait3A_90 : memref<1x128xi32, #tpu.memory_space<vmem>> -> memref<128xi32, #tpu.memory_space<vmem>>
        %dma_wait3A_92 = tpu.memref_slice %arg3[%add3A_5] : memref<4096xi32, #tpu.memory_space<hbm>> -> memref<128xi32, #tpu.memory_space<hbm>>
        tpu.wait_dma2 semaphore(%run_scoped3A_76 : memref<!tpu.dma_semaphore, #tpu.memory_space<semaphore_mem>>) src(%dma_wait3A_92 : memref<128xi32, #tpu.memory_space<hbm>>) dst(%dma_wait3A_91 : memref<128xi32, #tpu.memory_space<vmem>>)
        tpu.yield
      }) : () -> ()
      %add3A_6 = arith.constant 0 : i32
      %add3A_7 = arith.addi %mul3A_2, %add3A_6 : i32
      %run_scoped3A_8 = arith.constant 0 : i32
      "tpu.region"() ({
        %run_scoped3A_76 = tpu.sem_alloc : memref<!tpu.dma_semaphore, #tpu.memory_space<semaphore_mem>>
        %dma_start3A_77 = arith.constant 0 : i32
        %dma_start3A_78 = tpu.memref_slice %arg7[%run_scoped3A_8, %dma_start3A_77] : memref<2x128xi32, #tpu.memory_space<vmem>> -> memref<1x128xi32, #tpu.memory_space<vmem>>
        %dma_start3A_79 = tpu.memref_squeeze %dma_start3A_78 : memref<1x128xi32, #tpu.memory_space<vmem>> -> memref<128xi32, #tpu.memory_space<vmem>>
        %dma_start3A_80 = tpu.memref_slice %arg4[%add3A_7] : memref<4096xi32, #tpu.memory_space<hbm>> -> memref<128xi32, #tpu.memory_space<hbm>>
        %dma_start3A_81 = arith.constant 0 : i32
        %dma_start3A_82 = tpu.memref_slice %arg7[%run_scoped3A_8, %dma_start3A_81] : memref<2x128xi32, #tpu.memory_space<vmem>> -> memref<1x128xi32, #tpu.memory_space<vmem>>
        %dma_start3A_83 = tpu.memref_squeeze %dma_start3A_82 : memref<1x128xi32, #tpu.memory_space<vmem>> -> memref<128xi32, #tpu.memory_space<vmem>>
        %dma_start3A_84 = tpu.memref_slice %arg4[%add3A_7] : memref<4096xi32, #tpu.memory_space<hbm>> -> memref<128xi32, #tpu.memory_space<hbm>>
        tpu.enqueue_dma source(%dma_start3A_84 : memref<128xi32, #tpu.memory_space<hbm>>) target(%dma_start3A_83 : memref<128xi32, #tpu.memory_space<vmem>>) target_semaphore(%run_scoped3A_76 : memref<!tpu.dma_semaphore, #tpu.memory_space<semaphore_mem>>)
        %dma_wait3A_85 = arith.constant 0 : i32
        %dma_wait3A_86 = tpu.memref_slice %arg7[%run_scoped3A_8, %dma_wait3A_85] : memref<2x128xi32, #tpu.memory_space<vmem>> -> memref<1x128xi32, #tpu.memory_space<vmem>>
        %dma_wait3A_87 = tpu.memref_squeeze %dma_wait3A_86 : memref<1x128xi32, #tpu.memory_space<vmem>> -> memref<128xi32, #tpu.memory_space<vmem>>
        %dma_wait3A_88 = tpu.memref_slice %arg4[%add3A_7] : memref<4096xi32, #tpu.memory_space<hbm>> -> memref<128xi32, #tpu.memory_space<hbm>>
        %dma_wait3A_89 = arith.constant 0 : i32
        %dma_wait3A_90 = tpu.memref_slice %arg7[%run_scoped3A_8, %dma_wait3A_89] : memref<2x128xi32, #tpu.memory_space<vmem>> -> memref<1x128xi32, #tpu.memory_space<vmem>>
        %dma_wait3A_91 = tpu.memref_squeeze %dma_wait3A_90 : memref<1x128xi32, #tpu.memory_space<vmem>> -> memref<128xi32, #tpu.memory_space<vmem>>
        %dma_wait3A_92 = tpu.memref_slice %arg4[%add3A_7] : memref<4096xi32, #tpu.memory_space<hbm>> -> memref<128xi32, #tpu.memory_space<hbm>>
        tpu.wait_dma2 semaphore(%run_scoped3A_76 : memref<!tpu.dma_semaphore, #tpu.memory_space<semaphore_mem>>) src(%dma_wait3A_92 : memref<128xi32, #tpu.memory_space<hbm>>) dst(%dma_wait3A_91 : memref<128xi32, #tpu.memory_space<vmem>>)
        tpu.yield
      }) : () -> ()
      %add3A_9 = arith.constant 128 : i32
      %add3A_10 = arith.addi %mul3A_2, %add3A_9 : i32
      %run_scoped3A_11 = arith.constant 1 : i32
      "tpu.region"() ({
        %run_scoped3A_76 = tpu.sem_alloc : memref<!tpu.dma_semaphore, #tpu.memory_space<semaphore_mem>>
        %dma_start3A_77 = arith.constant 0 : i32
        %dma_start3A_78 = tpu.memref_slice %arg6[%run_scoped3A_11, %dma_start3A_77] : memref<2x128xi32, #tpu.memory_space<vmem>> -> memref<1x128xi32, #tpu.memory_space<vmem>>
        %dma_start3A_79 = tpu.memref_squeeze %dma_start3A_78 : memref<1x128xi32, #tpu.memory_space<vmem>> -> memref<128xi32, #tpu.memory_space<vmem>>
        %dma_start3A_80 = tpu.memref_slice %arg3[%add3A_10] : memref<4096xi32, #tpu.memory_space<hbm>> -> memref<128xi32, #tpu.memory_space<hbm>>
        %dma_start3A_81 = arith.constant 0 : i32
        %dma_start3A_82 = tpu.memref_slice %arg6[%run_scoped3A_11, %dma_start3A_81] : memref<2x128xi32, #tpu.memory_space<vmem>> -> memref<1x128xi32, #tpu.memory_space<vmem>>
        %dma_start3A_83 = tpu.memref_squeeze %dma_start3A_82 : memref<1x128xi32, #tpu.memory_space<vmem>> -> memref<128xi32, #tpu.memory_space<vmem>>
        %dma_start3A_84 = tpu.memref_slice %arg3[%add3A_10] : memref<4096xi32, #tpu.memory_space<hbm>> -> memref<128xi32, #tpu.memory_space<hbm>>
        tpu.enqueue_dma source(%dma_start3A_84 : memref<128xi32, #tpu.memory_space<hbm>>) target(%dma_start3A_83 : memref<128xi32, #tpu.memory_space<vmem>>) target_semaphore(%run_scoped3A_76 : memref<!tpu.dma_semaphore, #tpu.memory_space<semaphore_mem>>)
        %dma_wait3A_85 = arith.constant 0 : i32
        %dma_wait3A_86 = tpu.memref_slice %arg6[%run_scoped3A_11, %dma_wait3A_85] : memref<2x128xi32, #tpu.memory_space<vmem>> -> memref<1x128xi32, #tpu.memory_space<vmem>>
        %dma_wait3A_87 = tpu.memref_squeeze %dma_wait3A_86 : memref<1x128xi32, #tpu.memory_space<vmem>> -> memref<128xi32, #tpu.memory_space<vmem>>
        %dma_wait3A_88 = tpu.memref_slice %arg3[%add3A_10] : memref<4096xi32, #tpu.memory_space<hbm>> -> memref<128xi32, #tpu.memory_space<hbm>>
        %dma_wait3A_89 = arith.constant 0 : i32
        %dma_wait3A_90 = tpu.memref_slice %arg6[%run_scoped3A_11, %dma_wait3A_89] : memref<2x128xi32, #tpu.memory_space<vmem>> -> memref<1x128xi32, #tpu.memory_space<vmem>>
        %dma_wait3A_91 = tpu.memref_squeeze %dma_wait3A_90 : memref<1x128xi32, #tpu.memory_space<vmem>> -> memref<128xi32, #tpu.memory_space<vmem>>
        %dma_wait3A_92 = tpu.memref_slice %arg3[%add3A_10] : memref<4096xi32, #tpu.memory_space<hbm>> -> memref<128xi32, #tpu.memory_space<hbm>>
        tpu.wait_dma2 semaphore(%run_scoped3A_76 : memref<!tpu.dma_semaphore, #tpu.memory_space<semaphore_mem>>) src(%dma_wait3A_92 : memref<128xi32, #tpu.memory_space<hbm>>) dst(%dma_wait3A_91 : memref<128xi32, #tpu.memory_space<vmem>>)
        tpu.yield
      }) : () -> ()
      %add3A_12 = arith.constant 128 : i32
      %add3A_13 = arith.addi %mul3A_2, %add3A_12 : i32
      %run_scoped3A_14 = arith.constant 1 : i32
      "tpu.region"() ({
        %run_scoped3A_76 = tpu.sem_alloc : memref<!tpu.dma_semaphore, #tpu.memory_space<semaphore_mem>>
        %dma_start3A_77 = arith.constant 0 : i32
        %dma_start3A_78 = tpu.memref_slice %arg7[%run_scoped3A_14, %dma_start3A_77] : memref<2x128xi32, #tpu.memory_space<vmem>> -> memref<1x128xi32, #tpu.memory_space<vmem>>
        %dma_start3A_79 = tpu.memref_squeeze %dma_start3A_78 : memref<1x128xi32, #tpu.memory_space<vmem>> -> memref<128xi32, #tpu.memory_space<vmem>>
        %dma_start3A_80 = tpu.memref_slice %arg4[%add3A_13] : memref<4096xi32, #tpu.memory_space<hbm>> -> memref<128xi32, #tpu.memory_space<hbm>>
        %dma_start3A_81 = arith.constant 0 : i32
        %dma_start3A_82 = tpu.memref_slice %arg7[%run_scoped3A_14, %dma_start3A_81] : memref<2x128xi32, #tpu.memory_space<vmem>> -> memref<1x128xi32, #tpu.memory_space<vmem>>
        %dma_start3A_83 = tpu.memref_squeeze %dma_start3A_82 : memref<1x128xi32, #tpu.memory_space<vmem>> -> memref<128xi32, #tpu.memory_space<vmem>>
        %dma_start3A_84 = tpu.memref_slice %arg4[%add3A_13] : memref<4096xi32, #tpu.memory_space<hbm>> -> memref<128xi32, #tpu.memory_space<hbm>>
        tpu.enqueue_dma source(%dma_start3A_84 : memref<128xi32, #tpu.memory_space<hbm>>) target(%dma_start3A_83 : memref<128xi32, #tpu.memory_space<vmem>>) target_semaphore(%run_scoped3A_76 : memref<!tpu.dma_semaphore, #tpu.memory_space<semaphore_mem>>)
        %dma_wait3A_85 = arith.constant 0 : i32
        %dma_wait3A_86 = tpu.memref_slice %arg7[%run_scoped3A_14, %dma_wait3A_85] : memref<2x128xi32, #tpu.memory_space<vmem>> -> memref<1x128xi32, #tpu.memory_space<vmem>>
        %dma_wait3A_87 = tpu.memref_squeeze %dma_wait3A_86 : memref<1x128xi32, #tpu.memory_space<vmem>> -> memref<128xi32, #tpu.memory_space<vmem>>
        %dma_wait3A_88 = tpu.memref_slice %arg4[%add3A_13] : memref<4096xi32, #tpu.memory_space<hbm>> -> memref<128xi32, #tpu.memory_space<hbm>>
        %dma_wait3A_89 = arith.constant 0 : i32
        %dma_wait3A_90 = tpu.memref_slice %arg7[%run_scoped3A_14, %dma_wait3A_89] : memref<2x128xi32, #tpu.memory_space<vmem>> -> memref<1x128xi32, #tpu.memory_space<vmem>>
        %dma_wait3A_91 = tpu.memref_squeeze %dma_wait3A_90 : memref<1x128xi32, #tpu.memory_space<vmem>> -> memref<128xi32, #tpu.memory_space<vmem>>
        %dma_wait3A_92 = tpu.memref_slice %arg4[%add3A_13] : memref<4096xi32, #tpu.memory_space<hbm>> -> memref<128xi32, #tpu.memory_space<hbm>>
        tpu.wait_dma2 semaphore(%run_scoped3A_76 : memref<!tpu.dma_semaphore, #tpu.memory_space<semaphore_mem>>) src(%dma_wait3A_92 : memref<128xi32, #tpu.memory_space<hbm>>) dst(%dma_wait3A_91 : memref<128xi32, #tpu.memory_space<vmem>>)
        tpu.yield
      }) : () -> ()
      "tpu.region"() ({
        %run_scoped3A_76 = tpu.sem_alloc : memref<!tpu.dma_semaphore, #tpu.memory_space<semaphore_mem>>
        %dma_start3A_77 = tpu.memref_slice %arg4[%mul3A_2] : memref<4096xi32, #tpu.memory_space<hbm>> -> memref<256xi32, #tpu.memory_space<hbm>>
        %dma_start3A_78 = tpu.memref_slice %arg4[%mul3A_2] : memref<4096xi32, #tpu.memory_space<hbm>> -> memref<256xi32, #tpu.memory_space<hbm>>
        tpu.enqueue_dma source(%dma_start3A_78 : memref<256xi32, #tpu.memory_space<hbm>>) target(%arg8 : memref<256xi32, #tpu.memory_space<vmem>>) target_semaphore(%run_scoped3A_76 : memref<!tpu.dma_semaphore, #tpu.memory_space<semaphore_mem>>)
        %dma_wait3A_79 = tpu.memref_slice %arg4[%mul3A_2] : memref<4096xi32, #tpu.memory_space<hbm>> -> memref<256xi32, #tpu.memory_space<hbm>>
        %dma_wait3A_80 = tpu.memref_slice %arg4[%mul3A_2] : memref<4096xi32, #tpu.memory_space<hbm>> -> memref<256xi32, #tpu.memory_space<hbm>>
        tpu.wait_dma2 semaphore(%run_scoped3A_76 : memref<!tpu.dma_semaphore, #tpu.memory_space<semaphore_mem>>) src(%dma_wait3A_80 : memref<256xi32, #tpu.memory_space<hbm>>) dst(%arg8 : memref<256xi32, #tpu.memory_space<vmem>>)
        tpu.yield
      }) : () -> ()
      %scan3A = arith.constant 0 : i32
      %scan3A_15 = arith.constant 0 : i32
      %scan3A_16 = arith.constant 256 : i32
      %scan3A_17 = arith.addi %scan3A_15, %scan3A_16 : i32
      %scan3A_18 = arith.constant 1 : i32
      scf.for %scan3A_76 = %scan3A_15 to %scan3A_17 step %scan3A_18  : i32 {
        %broadcast_in_dim3A = arith.constant 0.000000e+00 : f32
        %broadcast_in_dim3A_77 = vector.broadcast %broadcast_in_dim3A : f32 to vector<16xf32>
        %swap3A = arith.index_cast %scan3A_76 : i32 to index
        %swap3A_78 = arith.constant 0 : index
        %swap3A_79 = tpu.vector_load %arg10[%swap3A, %swap3A_78] {strides = array<i32>} : memref<256x16xf32, #tpu.memory_space<vmem>>, vector<16xf32>,
        tpu.vector_store %arg10[%swap3A, %swap3A_78], %broadcast_in_dim3A_77 {strides = array<i32>} : memref<256x16xf32, #tpu.memory_space<vmem>>, vector<16xf32>,
        %broadcast_in_dim3A_80 = arith.constant 1.000000e+00 : f32
        %broadcast_in_dim3A_81 = vector.broadcast %broadcast_in_dim3A_80 : f32 to vector<16xf32>
        %swap3A_82 = arith.index_cast %scan3A_76 : i32 to index
        %swap3A_83 = arith.constant 0 : index
        %swap3A_84 = tpu.vector_load %arg11[%swap3A_82, %swap3A_83] {strides = array<i32>} : memref<256x16xf32, #tpu.memory_space<vmem>>, vector<16xf32>,
        tpu.vector_store %arg11[%swap3A_82, %swap3A_83], %broadcast_in_dim3A_81 {strides = array<i32>} : memref<256x16xf32, #tpu.memory_space<vmem>>, vector<16xf32>,
      }
      %scan3A_19 = arith.constant 256 : i32
      %dma_start3A = arith.constant 0 : i32
      %dma_start3A_20 = arith.constant 0 : i32
      %dma_start3A_21 = arith.constant 0 : i32
      %dma_start3A_22 = tpu.memref_slice %arg9[%dma_start3A_20, %dma_start3A_21] : memref<256x16xf32, #tpu.memory_space<vmem>> -> memref<128x16xf32, #tpu.memory_space<vmem>>
      %dma_start3A_23 = arith.constant 0 : i32
      %dma_start3A_24 = tpu.memref_slice %arg6[%dma_start3A, %dma_start3A_23] : memref<2x128xi32, #tpu.memory_space<vmem>> -> memref<1x128xi32, #tpu.memory_space<vmem>>
      %dma_start3A_25 = tpu.memref_squeeze %dma_start3A_24 : memref<1x128xi32, #tpu.memory_space<vmem>> -> memref<128xi32, #tpu.memory_space<vmem>>
      %dma_start3A_26 = arith.constant 0 : i32
      %dma_start3A_27 = arith.constant 0 : i32
      %dma_start3A_28 = tpu.memref_slice %arg2[%dma_start3A_26, %dma_start3A_27] : memref<16384x16xf32, #tpu.memory_space<hbm>> -> memref<16384x16xf32, #tpu.memory_space<hbm>>
      tpu.enqueue_indirect_dma source(%dma_start3A_28 : memref<16384x16xf32, #tpu.memory_space<hbm>>) target(%dma_start3A_22 : memref<128x16xf32, #tpu.memory_space<vmem>>) offsets(%dma_start3A_25 : memref<128xi32, #tpu.memory_space<vmem>>) semaphore(%arg20 : memref<!tpu.dma_semaphore, #tpu.memory_space<semaphore_mem>>)
      %dma_wait3A = arith.constant 0 : i32
      %dma_wait3A_29 = arith.constant 0 : i32
      %dma_wait3A_30 = arith.constant 0 : i32
      %dma_wait3A_31 = tpu.memref_slice %arg9[%dma_wait3A_29, %dma_wait3A_30] : memref<256x16xf32, #tpu.memory_space<vmem>> -> memref<128x16xf32, #tpu.memory_space<vmem>>
      %dma_wait3A_32 = arith.constant 0 : i32
      %dma_wait3A_33 = tpu.memref_slice %arg6[%dma_wait3A, %dma_wait3A_32] : memref<2x128xi32, #tpu.memory_space<vmem>> -> memref<1x128xi32, #tpu.memory_space<vmem>>
      %dma_wait3A_34 = tpu.memref_squeeze %dma_wait3A_33 : memref<1x128xi32, #tpu.memory_space<vmem>> -> memref<128xi32, #tpu.memory_space<vmem>>
      %dma_wait3A_35 = arith.constant 0 : i32
      %dma_wait3A_36 = arith.constant 0 : i32
      %dma_wait3A_37 = tpu.memref_slice %arg2[%dma_wait3A_35, %dma_wait3A_36] : memref<16384x16xf32, #tpu.memory_space<hbm>> -> memref<16384x16xf32, #tpu.memory_space<hbm>>
      tpu.wait_indirect_dma semaphore(%arg20 : memref<!tpu.dma_semaphore, #tpu.memory_space<semaphore_mem>>) src(%dma_wait3A_37 : memref<16384x16xf32, #tpu.memory_space<hbm>>) dst(%dma_wait3A_31 : memref<128x16xf32, #tpu.memory_space<vmem>>)
      %dma_start3A_38 = arith.constant 1 : i32
      %dma_start3A_39 = arith.constant 128 : i32
      %dma_start3A_40 = arith.constant 0 : i32
      %dma_start3A_41 = tpu.memref_slice %arg9[%dma_start3A_39, %dma_start3A_40] : memref<256x16xf32, #tpu.memory_space<vmem>> -> memref<128x16xf32, #tpu.memory_space<vmem>>
      %dma_start3A_42 = arith.constant 0 : i32
      %dma_start3A_43 = tpu.memref_slice %arg6[%dma_start3A_38, %dma_start3A_42] : memref<2x128xi32, #tpu.memory_space<vmem>> -> memref<1x128xi32, #tpu.memory_space<vmem>>
      %dma_start3A_44 = tpu.memref_squeeze %dma_start3A_43 : memref<1x128xi32, #tpu.memory_space<vmem>> -> memref<128xi32, #tpu.memory_space<vmem>>
      %dma_start3A_45 = arith.constant 0 : i32
      %dma_start3A_46 = arith.constant 0 : i32
      %dma_start3A_47 = tpu.memref_slice %arg2[%dma_start3A_45, %dma_start3A_46] : memref<16384x16xf32, #tpu.memory_space<hbm>> -> memref<16384x16xf32, #tpu.memory_space<hbm>>
      tpu.enqueue_indirect_dma source(%dma_start3A_47 : memref<16384x16xf32, #tpu.memory_space<hbm>>) target(%dma_start3A_41 : memref<128x16xf32, #tpu.memory_space<vmem>>) offsets(%dma_start3A_44 : memref<128xi32, #tpu.memory_space<vmem>>) semaphore(%arg20 : memref<!tpu.dma_semaphore, #tpu.memory_space<semaphore_mem>>)
      %dma_wait3A_48 = arith.constant 1 : i32
      %dma_wait3A_49 = arith.constant 128 : i32
      %dma_wait3A_50 = arith.constant 0 : i32
      %dma_wait3A_51 = tpu.memref_slice %arg9[%dma_wait3A_49, %dma_wait3A_50] : memref<256x16xf32, #tpu.memory_space<vmem>> -> memref<128x16xf32, #tpu.memory_space<vmem>>
      %dma_wait3A_52 = arith.constant 0 : i32
      %dma_wait3A_53 = tpu.memref_slice %arg6[%dma_wait3A_48, %dma_wait3A_52] : memref<2x128xi32, #tpu.memory_space<vmem>> -> memref<1x128xi32, #tpu.memory_space<vmem>>
      %dma_wait3A_54 = tpu.memref_squeeze %dma_wait3A_53 : memref<1x128xi32, #tpu.memory_space<vmem>> -> memref<128xi32, #tpu.memory_space<vmem>>
      %dma_wait3A_55 = arith.constant 0 : i32
      %dma_wait3A_56 = arith.constant 0 : i32
      %dma_wait3A_57 = tpu.memref_slice %arg2[%dma_wait3A_55, %dma_wait3A_56] : memref<16384x16xf32, #tpu.memory_space<hbm>> -> memref<16384x16xf32, #tpu.memory_space<hbm>>
      tpu.wait_indirect_dma semaphore(%arg20 : memref<!tpu.dma_semaphore, #tpu.memory_space<semaphore_mem>>) src(%dma_wait3A_57 : memref<16384x16xf32, #tpu.memory_space<hbm>>) dst(%dma_wait3A_51 : memref<128x16xf32, #tpu.memory_space<vmem>>)
      "tpu.region"() ({
        %run_scoped3A_76 = tpu.sem_alloc : memref<!tpu.dma_semaphore, #tpu.memory_space<semaphore_mem>>
        %dma_start3A_77 = arith.constant 0 : i32
        %dma_start3A_78 = tpu.memref_slice %arg17[%mul3A_4, %dma_start3A_77] : memref<4096x16xf32, #tpu.memory_space<vmem_shared>> -> memref<256x16xf32, #tpu.memory_space<vmem_shared>>
        %dma_start3A_79 = arith.constant 0 : i32
        %dma_start3A_80 = tpu.memref_slice %arg17[%mul3A_4, %dma_start3A_79] : memref<4096x16xf32, #tpu.memory_space<vmem_shared>> -> memref<256x16xf32, #tpu.memory_space<vmem_shared>>
        tpu.enqueue_dma source(%arg10 : memref<256x16xf32, #tpu.memory_space<vmem>>) target(%dma_start3A_80 : memref<256x16xf32, #tpu.memory_space<vmem_shared>>) target_semaphore(%run_scoped3A_76 : memref<!tpu.dma_semaphore, #tpu.memory_space<semaphore_mem>>)
        %dma_wait3A_81 = arith.constant 0 : i32
        %dma_wait3A_82 = tpu.memref_slice %arg17[%mul3A_4, %dma_wait3A_81] : memref<4096x16xf32, #tpu.memory_space<vmem_shared>> -> memref<256x16xf32, #tpu.memory_space<vmem_shared>>
        %dma_wait3A_83 = arith.constant 0 : i32
        %dma_wait3A_84 = tpu.memref_slice %arg17[%mul3A_4, %dma_wait3A_83] : memref<4096x16xf32, #tpu.memory_space<vmem_shared>> -> memref<256x16xf32, #tpu.memory_space<vmem_shared>>
        tpu.wait_dma2 semaphore(%run_scoped3A_76 : memref<!tpu.dma_semaphore, #tpu.memory_space<semaphore_mem>>) src(%arg10 : memref<256x16xf32, #tpu.memory_space<vmem>>) dst(%dma_wait3A_84 : memref<256x16xf32, #tpu.memory_space<vmem_shared>>)
        tpu.yield
      }) : () -> ()
      "tpu.region"() ({
        %run_scoped3A_76 = tpu.sem_alloc : memref<!tpu.dma_semaphore, #tpu.memory_space<semaphore_mem>>
        %dma_start3A_77 = arith.constant 0 : i32
        %dma_start3A_78 = tpu.memref_slice %arg18[%mul3A_4, %dma_start3A_77] : memref<4096x16xf32, #tpu.memory_space<vmem_shared>> -> memref<256x16xf32, #tpu.memory_space<vmem_shared>>
        %dma_start3A_79 = arith.constant 0 : i32
        %dma_start3A_80 = tpu.memref_slice %arg18[%mul3A_4, %dma_start3A_79] : memref<4096x16xf32, #tpu.memory_space<vmem_shared>> -> memref<256x16xf32, #tpu.memory_space<vmem_shared>>
        tpu.enqueue_dma source(%arg10 : memref<256x16xf32, #tpu.memory_space<vmem>>) target(%dma_start3A_80 : memref<256x16xf32, #tpu.memory_space<vmem_shared>>) target_semaphore(%run_scoped3A_76 : memref<!tpu.dma_semaphore, #tpu.memory_space<semaphore_mem>>)
        %dma_wait3A_81 = arith.constant 0 : i32
        %dma_wait3A_82 = tpu.memref_slice %arg18[%mul3A_4, %dma_wait3A_81] : memref<4096x16xf32, #tpu.memory_space<vmem_shared>> -> memref<256x16xf32, #tpu.memory_space<vmem_shared>>
        %dma_wait3A_83 = arith.constant 0 : i32
        %dma_wait3A_84 = tpu.memref_slice %arg18[%mul3A_4, %dma_wait3A_83] : memref<4096x16xf32, #tpu.memory_space<vmem_shared>> -> memref<256x16xf32, #tpu.memory_space<vmem_shared>>
        tpu.wait_dma2 semaphore(%run_scoped3A_76 : memref<!tpu.dma_semaphore, #tpu.memory_space<semaphore_mem>>) src(%arg10 : memref<256x16xf32, #tpu.memory_space<vmem>>) dst(%dma_wait3A_84 : memref<256x16xf32, #tpu.memory_space<vmem_shared>>)
        tpu.yield
      }) : () -> ()
      %barrier3A = arith.constant 0 : index
      tpu.barrier barrier_id(%barrier3A)
      %run_scoped3A_58 = arith.constant 0 : i32
      "tpu.region"() ({
        %run_scoped3A_76 = tpu.sem_alloc : memref<!tpu.dma_semaphore, #tpu.memory_space<semaphore_mem>>
        %dma_start3A_77 = arith.constant 0 : i32
        %dma_start3A_78 = arith.constant 0 : i32
        %dma_start3A_79 = tpu.memref_slice %arg9[%dma_start3A_77, %dma_start3A_78] : memref<256x16xf32, #tpu.memory_space<vmem>> -> memref<128x16xf32, #tpu.memory_space<vmem>>
        %dma_start3A_80 = arith.constant 0 : i32
        %dma_start3A_81 = tpu.memref_slice %arg7[%run_scoped3A_58, %dma_start3A_80] : memref<2x128xi32, #tpu.memory_space<vmem>> -> memref<1x128xi32, #tpu.memory_space<vmem>>
        %dma_start3A_82 = tpu.memref_squeeze %dma_start3A_81 : memref<1x128xi32, #tpu.memory_space<vmem>> -> memref<128xi32, #tpu.memory_space<vmem>>
        %dma_start3A_83 = arith.constant 0 : i32
        %dma_start3A_84 = arith.constant 0 : i32
        %dma_start3A_85 = tpu.memref_slice %arg17[%dma_start3A_83, %dma_start3A_84] : memref<4096x16xf32, #tpu.memory_space<vmem_shared>> -> memref<4096x16xf32, #tpu.memory_space<vmem_shared>>
        tpu.enqueue_indirect_dma source(%dma_start3A_79 : memref<128x16xf32, #tpu.memory_space<vmem>>) target(%dma_start3A_85 : memref<4096x16xf32, #tpu.memory_space<vmem_shared>>) offsets(%dma_start3A_82 : memref<128xi32, #tpu.memory_space<vmem>>) semaphore(%run_scoped3A_76 : memref<!tpu.dma_semaphore, #tpu.memory_space<semaphore_mem>>) {add = true}
        %dma_wait3A_86 = arith.constant 0 : i32
        %dma_wait3A_87 = arith.constant 0 : i32
        %dma_wait3A_88 = tpu.memref_slice %arg9[%dma_wait3A_86, %dma_wait3A_87] : memref<256x16xf32, #tpu.memory_space<vmem>> -> memref<128x16xf32, #tpu.memory_space<vmem>>
        %dma_wait3A_89 = arith.constant 0 : i32
        %dma_wait3A_90 = tpu.memref_slice %arg7[%run_scoped3A_58, %dma_wait3A_89] : memref<2x128xi32, #tpu.memory_space<vmem>> -> memref<1x128xi32, #tpu.memory_space<vmem>>
        %dma_wait3A_91 = tpu.memref_squeeze %dma_wait3A_90 : memref<1x128xi32, #tpu.memory_space<vmem>> -> memref<128xi32, #tpu.memory_space<vmem>>
        %dma_wait3A_92 = arith.constant 0 : i32
        %dma_wait3A_93 = arith.constant 0 : i32
        %dma_wait3A_94 = tpu.memref_slice %arg17[%dma_wait3A_92, %dma_wait3A_93] : memref<4096x16xf32, #tpu.memory_space<vmem_shared>> -> memref<4096x16xf32, #tpu.memory_space<vmem_shared>>
        tpu.wait_indirect_dma semaphore(%run_scoped3A_76 : memref<!tpu.dma_semaphore, #tpu.memory_space<semaphore_mem>>) src(%dma_wait3A_88 : memref<128x16xf32, #tpu.memory_space<vmem>>) dst(%dma_wait3A_94 : memref<4096x16xf32, #tpu.memory_space<vmem_shared>>)
        tpu.yield
      }) : () -> ()
      %run_scoped3A_59 = arith.constant 0 : i32
      "tpu.region"() ({
        %run_scoped3A_76 = tpu.sem_alloc : memref<!tpu.dma_semaphore, #tpu.memory_space<semaphore_mem>>
        %dma_start3A_77 = arith.constant 0 : i32
        %dma_start3A_78 = arith.constant 0 : i32
        %dma_start3A_79 = tpu.memref_slice %arg11[%dma_start3A_77, %dma_start3A_78] : memref<256x16xf32, #tpu.memory_space<vmem>> -> memref<128x16xf32, #tpu.memory_space<vmem>>
        %dma_start3A_80 = arith.constant 0 : i32
        %dma_start3A_81 = tpu.memref_slice %arg7[%run_scoped3A_59, %dma_start3A_80] : memref<2x128xi32, #tpu.memory_space<vmem>> -> memref<1x128xi32, #tpu.memory_space<vmem>>
        %dma_start3A_82 = tpu.memref_squeeze %dma_start3A_81 : memref<1x128xi32, #tpu.memory_space<vmem>> -> memref<128xi32, #tpu.memory_space<vmem>>
        %dma_start3A_83 = arith.constant 0 : i32
        %dma_start3A_84 = arith.constant 0 : i32
        %dma_start3A_85 = tpu.memref_slice %arg18[%dma_start3A_83, %dma_start3A_84] : memref<4096x16xf32, #tpu.memory_space<vmem_shared>> -> memref<4096x16xf32, #tpu.memory_space<vmem_shared>>
        tpu.enqueue_indirect_dma source(%dma_start3A_79 : memref<128x16xf32, #tpu.memory_space<vmem>>) target(%dma_start3A_85 : memref<4096x16xf32, #tpu.memory_space<vmem_shared>>) offsets(%dma_start3A_82 : memref<128xi32, #tpu.memory_space<vmem>>) semaphore(%run_scoped3A_76 : memref<!tpu.dma_semaphore, #tpu.memory_space<semaphore_mem>>) {add = true}
        %dma_wait3A_86 = arith.constant 0 : i32
        %dma_wait3A_87 = arith.constant 0 : i32
        %dma_wait3A_88 = tpu.memref_slice %arg11[%dma_wait3A_86, %dma_wait3A_87] : memref<256x16xf32, #tpu.memory_space<vmem>> -> memref<128x16xf32, #tpu.memory_space<vmem>>
        %dma_wait3A_89 = arith.constant 0 : i32
        %dma_wait3A_90 = tpu.memref_slice %arg7[%run_scoped3A_59, %dma_wait3A_89] : memref<2x128xi32, #tpu.memory_space<vmem>> -> memref<1x128xi32, #tpu.memory_space<vmem>>
        %dma_wait3A_91 = tpu.memref_squeeze %dma_wait3A_90 : memref<1x128xi32, #tpu.memory_space<vmem>> -> memref<128xi32, #tpu.memory_space<vmem>>
        %dma_wait3A_92 = arith.constant 0 : i32
        %dma_wait3A_93 = arith.constant 0 : i32
        %dma_wait3A_94 = tpu.memref_slice %arg18[%dma_wait3A_92, %dma_wait3A_93] : memref<4096x16xf32, #tpu.memory_space<vmem_shared>> -> memref<4096x16xf32, #tpu.memory_space<vmem_shared>>
        tpu.wait_indirect_dma semaphore(%run_scoped3A_76 : memref<!tpu.dma_semaphore, #tpu.memory_space<semaphore_mem>>) src(%dma_wait3A_88 : memref<128x16xf32, #tpu.memory_space<vmem>>) dst(%dma_wait3A_94 : memref<4096x16xf32, #tpu.memory_space<vmem_shared>>)
        tpu.yield
      }) : () -> ()
      %run_scoped3A_60 = arith.constant 1 : i32
      "tpu.region"() ({
        %run_scoped3A_76 = tpu.sem_alloc : memref<!tpu.dma_semaphore, #tpu.memory_space<semaphore_mem>>
        %dma_start3A_77 = arith.constant 128 : i32
        %dma_start3A_78 = arith.constant 0 : i32
        %dma_start3A_79 = tpu.memref_slice %arg9[%dma_start3A_77, %dma_start3A_78] : memref<256x16xf32, #tpu.memory_space<vmem>> -> memref<128x16xf32, #tpu.memory_space<vmem>>
        %dma_start3A_80 = arith.constant 0 : i32
        %dma_start3A_81 = tpu.memref_slice %arg7[%run_scoped3A_60, %dma_start3A_80] : memref<2x128xi32, #tpu.memory_space<vmem>> -> memref<1x128xi32, #tpu.memory_space<vmem>>
        %dma_start3A_82 = tpu.memref_squeeze %dma_start3A_81 : memref<1x128xi32, #tpu.memory_space<vmem>> -> memref<128xi32, #tpu.memory_space<vmem>>
        %dma_start3A_83 = arith.constant 0 : i32
        %dma_start3A_84 = arith.constant 0 : i32
        %dma_start3A_85 = tpu.memref_slice %arg17[%dma_start3A_83, %dma_start3A_84] : memref<4096x16xf32, #tpu.memory_space<vmem_shared>> -> memref<4096x16xf32, #tpu.memory_space<vmem_shared>>
        tpu.enqueue_indirect_dma source(%dma_start3A_79 : memref<128x16xf32, #tpu.memory_space<vmem>>) target(%dma_start3A_85 : memref<4096x16xf32, #tpu.memory_space<vmem_shared>>) offsets(%dma_start3A_82 : memref<128xi32, #tpu.memory_space<vmem>>) semaphore(%run_scoped3A_76 : memref<!tpu.dma_semaphore, #tpu.memory_space<semaphore_mem>>) {add = true}
        %dma_wait3A_86 = arith.constant 128 : i32
        %dma_wait3A_87 = arith.constant 0 : i32
        %dma_wait3A_88 = tpu.memref_slice %arg9[%dma_wait3A_86, %dma_wait3A_87] : memref<256x16xf32, #tpu.memory_space<vmem>> -> memref<128x16xf32, #tpu.memory_space<vmem>>
        %dma_wait3A_89 = arith.constant 0 : i32
        %dma_wait3A_90 = tpu.memref_slice %arg7[%run_scoped3A_60, %dma_wait3A_89] : memref<2x128xi32, #tpu.memory_space<vmem>> -> memref<1x128xi32, #tpu.memory_space<vmem>>
        %dma_wait3A_91 = tpu.memref_squeeze %dma_wait3A_90 : memref<1x128xi32, #tpu.memory_space<vmem>> -> memref<128xi32, #tpu.memory_space<vmem>>
        %dma_wait3A_92 = arith.constant 0 : i32
        %dma_wait3A_93 = arith.constant 0 : i32
        %dma_wait3A_94 = tpu.memref_slice %arg17[%dma_wait3A_92, %dma_wait3A_93] : memref<4096x16xf32, #tpu.memory_space<vmem_shared>> -> memref<4096x16xf32, #tpu.memory_space<vmem_shared>>
        tpu.wait_indirect_dma semaphore(%run_scoped3A_76 : memref<!tpu.dma_semaphore, #tpu.memory_space<semaphore_mem>>) src(%dma_wait3A_88 : memref<128x16xf32, #tpu.memory_space<vmem>>) dst(%dma_wait3A_94 : memref<4096x16xf32, #tpu.memory_space<vmem_shared>>)
        tpu.yield
      }) : () -> ()
      %run_scoped3A_61 = arith.constant 1 : i32
      "tpu.region"() ({
        %run_scoped3A_76 = tpu.sem_alloc : memref<!tpu.dma_semaphore, #tpu.memory_space<semaphore_mem>>
        %dma_start3A_77 = arith.constant 128 : i32
        %dma_start3A_78 = arith.constant 0 : i32
        %dma_start3A_79 = tpu.memref_slice %arg11[%dma_start3A_77, %dma_start3A_78] : memref<256x16xf32, #tpu.memory_space<vmem>> -> memref<128x16xf32, #tpu.memory_space<vmem>>
        %dma_start3A_80 = arith.constant 0 : i32
        %dma_start3A_81 = tpu.memref_slice %arg7[%run_scoped3A_61, %dma_start3A_80] : memref<2x128xi32, #tpu.memory_space<vmem>> -> memref<1x128xi32, #tpu.memory_space<vmem>>
        %dma_start3A_82 = tpu.memref_squeeze %dma_start3A_81 : memref<1x128xi32, #tpu.memory_space<vmem>> -> memref<128xi32, #tpu.memory_space<vmem>>
        %dma_start3A_83 = arith.constant 0 : i32
        %dma_start3A_84 = arith.constant 0 : i32
        %dma_start3A_85 = tpu.memref_slice %arg18[%dma_start3A_83, %dma_start3A_84] : memref<4096x16xf32, #tpu.memory_space<vmem_shared>> -> memref<4096x16xf32, #tpu.memory_space<vmem_shared>>
        tpu.enqueue_indirect_dma source(%dma_start3A_79 : memref<128x16xf32, #tpu.memory_space<vmem>>) target(%dma_start3A_85 : memref<4096x16xf32, #tpu.memory_space<vmem_shared>>) offsets(%dma_start3A_82 : memref<128xi32, #tpu.memory_space<vmem>>) semaphore(%run_scoped3A_76 : memref<!tpu.dma_semaphore, #tpu.memory_space<semaphore_mem>>) {add = true}
        %dma_wait3A_86 = arith.constant 128 : i32
        %dma_wait3A_87 = arith.constant 0 : i32
        %dma_wait3A_88 = tpu.memref_slice %arg11[%dma_wait3A_86, %dma_wait3A_87] : memref<256x16xf32, #tpu.memory_space<vmem>> -> memref<128x16xf32, #tpu.memory_space<vmem>>
        %dma_wait3A_89 = arith.constant 0 : i32
        %dma_wait3A_90 = tpu.memref_slice %arg7[%run_scoped3A_61, %dma_wait3A_89] : memref<2x128xi32, #tpu.memory_space<vmem>> -> memref<1x128xi32, #tpu.memory_space<vmem>>
        %dma_wait3A_91 = tpu.memref_squeeze %dma_wait3A_90 : memref<1x128xi32, #tpu.memory_space<vmem>> -> memref<128xi32, #tpu.memory_space<vmem>>
        %dma_wait3A_92 = arith.constant 0 : i32
        %dma_wait3A_93 = arith.constant 0 : i32
        %dma_wait3A_94 = tpu.memref_slice %arg18[%dma_wait3A_92, %dma_wait3A_93] : memref<4096x16xf32, #tpu.memory_space<vmem_shared>> -> memref<4096x16xf32, #tpu.memory_space<vmem_shared>>
        tpu.wait_indirect_dma semaphore(%run_scoped3A_76 : memref<!tpu.dma_semaphore, #tpu.memory_space<semaphore_mem>>) src(%dma_wait3A_88 : memref<128x16xf32, #tpu.memory_space<vmem>>) dst(%dma_wait3A_94 : memref<4096x16xf32, #tpu.memory_space<vmem_shared>>)
        tpu.yield
      }) : () -> ()
      %barrier3A_62 = arith.constant 0 : index
      tpu.barrier barrier_id(%barrier3A_62)
      "tpu.region"() ({
        %run_scoped3A_76 = tpu.sem_alloc : memref<!tpu.dma_semaphore, #tpu.memory_space<semaphore_mem>>
        %dma_start3A_77 = arith.constant 0 : i32
        %dma_start3A_78 = tpu.memref_slice %arg17[%mul3A_4, %dma_start3A_77] : memref<4096x16xf32, #tpu.memory_space<vmem_shared>> -> memref<256x16xf32, #tpu.memory_space<vmem_shared>>
        %dma_start3A_79 = arith.constant 0 : i32
        %dma_start3A_80 = tpu.memref_slice %arg17[%mul3A_4, %dma_start3A_79] : memref<4096x16xf32, #tpu.memory_space<vmem_shared>> -> memref<256x16xf32, #tpu.memory_space<vmem_shared>>
        tpu.enqueue_dma source(%dma_start3A_80 : memref<256x16xf32, #tpu.memory_space<vmem_shared>>) target(%arg12 : memref<256x16xf32, #tpu.memory_space<vmem>>) target_semaphore(%run_scoped3A_76 : memref<!tpu.dma_semaphore, #tpu.memory_space<semaphore_mem>>)
        %dma_wait3A_81 = arith.constant 0 : i32
        %dma_wait3A_82 = tpu.memref_slice %arg17[%mul3A_4, %dma_wait3A_81] : memref<4096x16xf32, #tpu.memory_space<vmem_shared>> -> memref<256x16xf32, #tpu.memory_space<vmem_shared>>
        %dma_wait3A_83 = arith.constant 0 : i32
        %dma_wait3A_84 = tpu.memref_slice %arg17[%mul3A_4, %dma_wait3A_83] : memref<4096x16xf32, #tpu.memory_space<vmem_shared>> -> memref<256x16xf32, #tpu.memory_space<vmem_shared>>
        tpu.wait_dma2 semaphore(%run_scoped3A_76 : memref<!tpu.dma_semaphore, #tpu.memory_space<semaphore_mem>>) src(%dma_wait3A_84 : memref<256x16xf32, #tpu.memory_space<vmem_shared>>) dst(%arg12 : memref<256x16xf32, #tpu.memory_space<vmem>>)
        tpu.yield
      }) : () -> ()
      "tpu.region"() ({
        %run_scoped3A_76 = tpu.sem_alloc : memref<!tpu.dma_semaphore, #tpu.memory_space<semaphore_mem>>
        %dma_start3A_77 = arith.constant 0 : i32
        %dma_start3A_78 = tpu.memref_slice %arg18[%mul3A_4, %dma_start3A_77] : memref<4096x16xf32, #tpu.memory_space<vmem_shared>> -> memref<256x16xf32, #tpu.memory_space<vmem_shared>>
        %dma_start3A_79 = arith.constant 0 : i32
        %dma_start3A_80 = tpu.memref_slice %arg18[%mul3A_4, %dma_start3A_79] : memref<4096x16xf32, #tpu.memory_space<vmem_shared>> -> memref<256x16xf32, #tpu.memory_space<vmem_shared>>
        tpu.enqueue_dma source(%dma_start3A_80 : memref<256x16xf32, #tpu.memory_space<vmem_shared>>) target(%arg13 : memref<256x16xf32, #tpu.memory_space<vmem>>) target_semaphore(%run_scoped3A_76 : memref<!tpu.dma_semaphore, #tpu.memory_space<semaphore_mem>>)
        %dma_wait3A_81 = arith.constant 0 : i32
        %dma_wait3A_82 = tpu.memref_slice %arg18[%mul3A_4, %dma_wait3A_81] : memref<4096x16xf32, #tpu.memory_space<vmem_shared>> -> memref<256x16xf32, #tpu.memory_space<vmem_shared>>
        %dma_wait3A_83 = arith.constant 0 : i32
        %dma_wait3A_84 = tpu.memref_slice %arg18[%mul3A_4, %dma_wait3A_83] : memref<4096x16xf32, #tpu.memory_space<vmem_shared>> -> memref<256x16xf32, #tpu.memory_space<vmem_shared>>
        tpu.wait_dma2 semaphore(%run_scoped3A_76 : memref<!tpu.dma_semaphore, #tpu.memory_space<semaphore_mem>>) src(%dma_wait3A_84 : memref<256x16xf32, #tpu.memory_space<vmem_shared>>) dst(%arg13 : memref<256x16xf32, #tpu.memory_space<vmem>>)
        tpu.yield
      }) : () -> ()
      %iota3A = tpu.iota {dimensions = array<i32: 0>} : vector<16xi32>
      %scan3A_63 = arith.constant 0 : i32
      %scan3A_64 = arith.constant 0 : i32
      %scan3A_65 = arith.constant 16 : i32
      %scan3A_66 = arith.addi %scan3A_64, %scan3A_65 : i32
      %scan3A_67 = arith.constant 1 : i32
      scf.for %scan3A_76 = %scan3A_64 to %scan3A_66 step %scan3A_67  : i32 {
        %broadcast_in_dim3A = arith.constant 0 : i32
        %broadcast_in_dim3A_77 = vector.broadcast %broadcast_in_dim3A : i32 to vector<16xi32>
        %scan3A_78 = arith.constant 0 : i32
        %scan3A_79 = arith.constant 16 : i32
        %scan3A_80 = arith.addi %scan3A_78, %scan3A_79 : i32
        %scan3A_81 = arith.constant 1 : i32
        %scan3A_82 = scf.for %scan3A_87 = %scan3A_78 to %scan3A_80 step %scan3A_81 iter_args(%scan3A_88 = %broadcast_in_dim3A_77) -> (vector<16xi32>)  : i32 {
          %mul3A_89 = arith.constant 16 : i32
          %mul3A_90 = arith.muli %scan3A_76, %mul3A_89 : i32
          %add3A_91 = arith.addi %mul3A_90, %scan3A_87 : i32
          %get3A = arith.index_cast %add3A_91 : i32 to index
          %get3A_92 = arith.constant 0 : index
          %get3A_93 = tpu.vector_load %arg12[%get3A, %get3A_92] {strides = array<i32>} : memref<256x16xf32, #tpu.memory_space<vmem>>, vector<16xf32>,
          %get3A_94 = arith.index_cast %add3A_91 : i32 to index
          %get3A_95 = arith.constant 0 : index
          %get3A_96 = tpu.vector_load %arg13[%get3A_94, %get3A_95] {strides = array<i32>} : memref<256x16xf32, #tpu.memory_space<vmem>>, vector<16xf32>,
          %max3A = arith.constant 1.000000e+00 : f32
          %max3A_97 = vector.broadcast %max3A : f32 to vector<16xf32>
          %max3A_98 = arith.maximumf %get3A_96, %max3A_97 : vector<16xf32>
          %div3A = arith.divf %get3A_93, %max3A_98 : vector<16xf32>
          %reduce_max3A = arith.constant true
          %reduce_max3A_99 = vector.broadcast %reduce_max3A : i1 to vector<16xi1>
          %reduce_max3A_100 = tpu.scan <max>, %div3A masked %reduce_max3A_99 : vector<16xf32>, vector<16xi1> -> vector<16xf32>
          %reduce_max3A_101 = vector.extract %reduce_max3A_100[15] : f32 from vector<16xf32>
          %eq3A_102 = vector.broadcast %reduce_max3A_101 : f32 to vector<16xf32>
          %eq3A_103 = arith.cmpf oeq, %div3A, %eq3A_102 : vector<16xf32>
          %all_reduce_ffs3A = tpu.all_reduce %eq3A_103 {dim = 0 : i64, kind = #tpu.reduction_kind<find_first_set>} : vector<16xi1> -> vector<16xi32>
          %eq3A_104 = vector.broadcast %scan3A_87 : i32 to vector<16xi32>
          %eq3A_105 = arith.cmpi eq, %iota3A, %eq3A_104 : vector<16xi32>
          %select_n3A = arith.select %eq3A_105, %all_reduce_ffs3A, %scan3A_88 : vector<16xi1>, vector<16xi32>
          scf.yield %select_n3A : vector<16xi32>
        }
        %scan3A_83 = arith.constant 16 : i32
        %mul3A_84 = arith.constant 16 : i32
        %mul3A_85 = arith.muli %scan3A_76, %mul3A_84 : i32
        %swap3A = arith.index_cast %mul3A_85 : i32 to index
        %swap3A_86 = tpu.vector_load %arg14[%swap3A] {strides = array<i32>} : memref<256xi32, #tpu.memory_space<vmem>>, vector<16xi32>,
        tpu.vector_store %arg14[%swap3A], %scan3A_82 {strides = array<i32>} : memref<256xi32, #tpu.memory_space<vmem>>, vector<16xi32>,
      }
      %scan3A_68 = arith.constant 16 : i32
      "tpu.region"() ({
        %run_scoped3A_76 = tpu.sem_alloc : memref<!tpu.dma_semaphore, #tpu.memory_space<semaphore_mem>>
        %dma_start3A_77 = tpu.memref_slice %arg19[%mul3A_4] : memref<4096xi32, #tpu.memory_space<vmem_shared>> -> memref<256xi32, #tpu.memory_space<vmem_shared>>
        %dma_start3A_78 = tpu.memref_slice %arg19[%mul3A_4] : memref<4096xi32, #tpu.memory_space<vmem_shared>> -> memref<256xi32, #tpu.memory_space<vmem_shared>>
        tpu.enqueue_dma source(%arg14 : memref<256xi32, #tpu.memory_space<vmem>>) target(%dma_start3A_78 : memref<256xi32, #tpu.memory_space<vmem_shared>>) target_semaphore(%run_scoped3A_76 : memref<!tpu.dma_semaphore, #tpu.memory_space<semaphore_mem>>)
        %dma_wait3A_79 = tpu.memref_slice %arg19[%mul3A_4] : memref<4096xi32, #tpu.memory_space<vmem_shared>> -> memref<256xi32, #tpu.memory_space<vmem_shared>>
        %dma_wait3A_80 = tpu.memref_slice %arg19[%mul3A_4] : memref<4096xi32, #tpu.memory_space<vmem_shared>> -> memref<256xi32, #tpu.memory_space<vmem_shared>>
        tpu.wait_dma2 semaphore(%run_scoped3A_76 : memref<!tpu.dma_semaphore, #tpu.memory_space<semaphore_mem>>) src(%arg14 : memref<256xi32, #tpu.memory_space<vmem>>) dst(%dma_wait3A_80 : memref<256xi32, #tpu.memory_space<vmem_shared>>)
        tpu.yield
      }) : () -> ()
      %barrier3A_69 = arith.constant 0 : index
      tpu.barrier barrier_id(%barrier3A_69)
      "tpu.region"() ({
        %run_scoped3A_76 = tpu.sem_alloc : memref<!tpu.dma_semaphore, #tpu.memory_space<semaphore_mem>>
        tpu.enqueue_dma source(%arg19 : memref<4096xi32, #tpu.memory_space<vmem_shared>>) target(%arg15 : memref<4096xi32, #tpu.memory_space<vmem>>) target_semaphore(%run_scoped3A_76 : memref<!tpu.dma_semaphore, #tpu.memory_space<semaphore_mem>>)
        tpu.wait_dma2 semaphore(%run_scoped3A_76 : memref<!tpu.dma_semaphore, #tpu.memory_space<semaphore_mem>>) src(%arg19 : memref<4096xi32, #tpu.memory_space<vmem_shared>>) dst(%arg15 : memref<4096xi32, #tpu.memory_space<vmem>>)
        tpu.yield
      }) : () -> ()
      %scan3A_70 = arith.constant 0 : i32
      %scan3A_71 = arith.constant 0 : i32
      %scan3A_72 = arith.constant 16 : i32
      %scan3A_73 = arith.addi %scan3A_71, %scan3A_72 : i32
      %scan3A_74 = arith.constant 1 : i32
      scf.for %scan3A_76 = %scan3A_71 to %scan3A_73 step %scan3A_74  : i32 {
        %mul3A_77 = arith.constant 16 : i32
        %mul3A_78 = arith.muli %scan3A_76, %mul3A_77 : i32
        %get3A = arith.index_cast %mul3A_78 : i32 to index
        %get3A_79 = tpu.vector_load %arg8[%get3A] {strides = array<i32>} : memref<256xi32, #tpu.memory_space<vmem>>, vector<16xi32>,
        %gather3A = tpu.vector_load_idx %arg15[%get3A_79] : memref<4096xi32, #tpu.memory_space<vmem>>[vector<16xi32>], vector<16xi32>,
        %mul3A_80 = arith.constant 16 : i32
        %mul3A_81 = arith.muli %scan3A_76, %mul3A_80 : i32
        %swap3A = arith.index_cast %mul3A_81 : i32 to index
        %swap3A_82 = tpu.vector_load %arg16[%swap3A] {strides = array<i32>} : memref<256xi32, #tpu.memory_space<vmem>>, vector<16xi32>,
        tpu.vector_store %arg16[%swap3A], %gather3A {strides = array<i32>} : memref<256xi32, #tpu.memory_space<vmem>>, vector<16xi32>,
      }
      %scan3A_75 = arith.constant 16 : i32
      "tpu.region"() ({
        %run_scoped3A_76 = tpu.sem_alloc : memref<!tpu.dma_semaphore, #tpu.memory_space<semaphore_mem>>
        %dma_start3A_77 = tpu.memref_slice %arg5[%mul3A_2] : memref<4096xi32, #tpu.memory_space<hbm>> -> memref<256xi32, #tpu.memory_space<hbm>>
        %dma_start3A_78 = tpu.memref_slice %arg5[%mul3A_2] : memref<4096xi32, #tpu.memory_space<hbm>> -> memref<256xi32, #tpu.memory_space<hbm>>
        tpu.enqueue_dma source(%arg16 : memref<256xi32, #tpu.memory_space<vmem>>) target(%dma_start3A_78 : memref<256xi32, #tpu.memory_space<hbm>>) target_semaphore(%run_scoped3A_76 : memref<!tpu.dma_semaphore, #tpu.memory_space<semaphore_mem>>)
        %dma_wait3A_79 = tpu.memref_slice %arg5[%mul3A_2] : memref<4096xi32, #tpu.memory_space<hbm>> -> memref<256xi32, #tpu.memory_space<hbm>>
        %dma_wait3A_80 = tpu.memref_slice %arg5[%mul3A_2] : memref<4096xi32, #tpu.memory_space<hbm>> -> memref<256xi32, #tpu.memory_space<hbm>>
        tpu.wait_dma2 semaphore(%run_scoped3A_76 : memref<!tpu.dma_semaphore, #tpu.memory_space<semaphore_mem>>) src(%arg16 : memref<256xi32, #tpu.memory_space<vmem>>) dst(%dma_wait3A_80 : memref<256xi32, #tpu.memory_space<hbm>>)
        tpu.yield
      }) : () -> ()
    } else {
    }
    return
  }
}

module attributes {stable_mosaic.version = 14 : i64} {
  func.func @_spt_body(%arg0: memref<3x4096xf32, #tpu.memory_space<vmem>>, %arg1: memref<4096xi32, #tpu.memory_space<vmem>>) attributes {dimension_semantics = [], scalar_prefetch = 0 : i64, scratch_operands = 0 : i64, tpu.core_type = #tpu.core_type<tc>} {
    %get3A = arith.constant 0 : index
    %get3A_0 = arith.constant 0 : index
    %get3A_1 = vector.load %arg0[%get3A, %get3A_0] : memref<3x4096xf32, #tpu.memory_space<vmem>>, vector<3x4096xf32>
    %reduce_min3A = arith.constant dense<0x7F800000> : vector<3xf32>
    %reduce_min3A_2 = vector.multi_reduction <minimumf>, %get3A_1, %reduce_min3A [1] : vector<3x4096xf32> to vector<3xf32>
    %broadcast_in_dim3A = vector.shape_cast %reduce_min3A_2 : vector<3xf32> to vector<3x1xf32>
    %reduce_max3A = arith.constant dense<0xFF800000> : vector<3xf32>
    %reduce_max3A_3 = vector.multi_reduction <maximumf>, %get3A_1, %reduce_max3A [1] : vector<3x4096xf32> to vector<3xf32>
    %broadcast_in_dim3A_4 = vector.shape_cast %reduce_max3A_3 : vector<3xf32> to vector<3x1xf32>
    %sub3A = vector.broadcast %broadcast_in_dim3A : vector<3x1xf32> to vector<3x4096xf32>
    %sub3A_5 = arith.subf %get3A_1, %sub3A : vector<3x4096xf32>
    %sub3A_6 = arith.subf %broadcast_in_dim3A_4, %broadcast_in_dim3A : vector<3x1xf32>
    %add3A = arith.constant 9.99999997E-7 : f32
    %add3A_7 = vector.broadcast %add3A : f32 to vector<3x1xf32>
    %add3A_8 = arith.addf %sub3A_6, %add3A_7 : vector<3x1xf32>
    %div3A = vector.broadcast %add3A_8 : vector<3x1xf32> to vector<3x4096xf32>
    %div3A_9 = arith.divf %sub3A_5, %div3A : vector<3x4096xf32>
    %mul3A = arith.constant 1.600000e+01 : f32
    %mul3A_10 = vector.broadcast %mul3A : f32 to vector<3x4096xf32>
    %mul3A_11 = arith.mulf %div3A_9, %mul3A_10 : vector<3x4096xf32>
    %convert_element_type3A = arith.fptosi %mul3A_11 : vector<3x4096xf32> to vector<3x4096xi32>
    %jit3A = arith.constant 0 : i32
    %jit3A_12 = arith.constant 15 : i32
    %max3A = vector.broadcast %jit3A : i32 to vector<3x4096xi32>
    %max3A_13 = arith.maxsi %max3A, %convert_element_type3A : vector<3x4096xi32>
    %min3A = vector.broadcast %jit3A_12 : i32 to vector<3x4096xi32>
    %min3A_14 = arith.minsi %min3A, %max3A_13 : vector<3x4096xi32>
    %slice3A = vector.extract_strided_slice %min3A_14 {offsets = [0, 0], sizes = [1, 4096], strides = [1, 1]} : vector<3x4096xi32> to vector<1x4096xi32>
    %squeeze3A = vector.shape_cast %slice3A : vector<1x4096xi32> to vector<4096xi32>
    %mul3A_15 = arith.constant 256 : i32
    %mul3A_16 = vector.broadcast %mul3A_15 : i32 to vector<4096xi32>
    %mul3A_17 = arith.muli %squeeze3A, %mul3A_16 : vector<4096xi32>
    %slice3A_18 = vector.extract_strided_slice %min3A_14 {offsets = [1, 0], sizes = [1, 4096], strides = [1, 1]} : vector<3x4096xi32> to vector<1x4096xi32>
    %squeeze3A_19 = vector.shape_cast %slice3A_18 : vector<1x4096xi32> to vector<4096xi32>
    %mul3A_20 = arith.constant 16 : i32
    %mul3A_21 = vector.broadcast %mul3A_20 : i32 to vector<4096xi32>
    %mul3A_22 = arith.muli %squeeze3A_19, %mul3A_21 : vector<4096xi32>
    %add3A_23 = arith.addi %mul3A_17, %mul3A_22 : vector<4096xi32>
    %slice3A_24 = vector.extract_strided_slice %min3A_14 {offsets = [2, 0], sizes = [1, 4096], strides = [1, 1]} : vector<3x4096xi32> to vector<1x4096xi32>
    %squeeze3A_25 = vector.shape_cast %slice3A_24 : vector<1x4096xi32> to vector<4096xi32>
    %add3A_26 = arith.addi %add3A_23, %squeeze3A_25 : vector<4096xi32>
    %swap3A = arith.constant 0 : index
    %swap3A_27 = vector.load %arg1[%swap3A] : memref<4096xi32, #tpu.memory_space<vmem>>, vector<4096xi32>
    tpu.vector_store %arg1[%swap3A], %add3A_26 {strides = array<i32>} : memref<4096xi32, #tpu.memory_space<vmem>>, vector<4096xi32>,
    return
  }
}

module attributes {stable_mosaic.version = 14 : i64} {
  func.func @_nn_body(%arg0: i32, %arg1: i32, %arg2: memref<1024x3xf32, #tpu.memory_space<vmem>>, %arg3: memref<3x4096xf32, #tpu.memory_space<vmem>>, %arg4: memref<1x4096xf32, #tpu.memory_space<vmem>>, %arg5: memref<1024x1xi32, #tpu.memory_space<vmem>>, %arg6: memref<1024x1xf32, #tpu.memory_space<vmem>>) attributes {dimension_semantics = [#tpu.dimension_semantics<arbitrary>, #tpu.dimension_semantics<arbitrary>], iteration_bounds = array<i64: 4, 4>, scalar_prefetch = 0 : i64, scratch_operands = 1 : i64, tpu.core_type = #tpu.core_type<tc>, window_params = [{transform_indices = @transform_0, window_bounds = array<i64: 1024, 3>}, {transform_indices = @transform_1, window_bounds = array<i64: 3, 4096>}, {pipeline_mode = #tpu.pipeline_mode<synchronous>, transform_indices = @transform_2, window_bounds = array<i64: 1, 4096>}, {transform_indices = @transform_3, window_bounds = array<i64: 1024, 1>}]} {
    %eq3A = arith.constant 0 : i32
    %eq3A_0 = arith.cmpi eq, %arg1, %eq3A : i32
    %convert_element_type3A = arith.extui %eq3A_0 : i1 to i32
    %cond3A = arith.constant 0 : i32
    %cond3A_1 = arith.cmpi ne, %convert_element_type3A, %cond3A : i32
    scf.if %cond3A_1 {
      %broadcast_in_dim3A_46 = arith.constant 0x7F800000 : f32
      %broadcast_in_dim3A_47 = vector.broadcast %broadcast_in_dim3A_46 : f32 to vector<1024x1xf32>
      %swap3A_48 = arith.constant 0 : index
      %swap3A_49 = arith.constant 0 : index
      %swap3A_50 = vector.load %arg6[%swap3A_48, %swap3A_49] : memref<1024x1xf32, #tpu.memory_space<vmem>>, vector<1024x1xf32>
      tpu.vector_store %arg6[%swap3A_48, %swap3A_49], %broadcast_in_dim3A_47 {strides = array<i32>} : memref<1024x1xf32, #tpu.memory_space<vmem>>, vector<1024x1xf32>,
      %broadcast_in_dim3A_51 = arith.constant 0 : i32
      %broadcast_in_dim3A_52 = vector.broadcast %broadcast_in_dim3A_51 : i32 to vector<1024x1xi32>
      %swap3A_53 = arith.constant 0 : index
      %swap3A_54 = arith.constant 0 : index
      %swap3A_55 = vector.load %arg5[%swap3A_53, %swap3A_54] : memref<1024x1xi32, #tpu.memory_space<vmem>>, vector<1024x1xi32>
      tpu.vector_store %arg5[%swap3A_53, %swap3A_54], %broadcast_in_dim3A_52 {strides = array<i32>} : memref<1024x1xi32, #tpu.memory_space<vmem>>, vector<1024x1xi32>,
    } else {
    }
    %get3A = arith.constant 0 : index
    %get3A_2 = arith.constant 0 : index
    %get3A_3 = vector.load %arg2[%get3A, %get3A_2] : memref<1024x3xf32, #tpu.memory_space<vmem>>, vector<1024x3xf32>
    %get3A_4 = arith.constant 0 : index
    %get3A_5 = arith.constant 0 : index
    %get3A_6 = vector.load %arg3[%get3A_4, %get3A_5] : memref<3x4096xf32, #tpu.memory_space<vmem>>, vector<3x4096xf32>
    %mul3A = arith.mulf %get3A_6, %get3A_6 : vector<3x4096xf32>
    %reduce_sum3A = arith.constant dense<0.000000e+00> : vector<4096xf32>
    %reduce_sum3A_7 = vector.multi_reduction <add>, %mul3A, %reduce_sum3A [0] : vector<3x4096xf32> to vector<4096xf32>
    %dot_general3A = arith.constant dense<0.000000e+00> : vector<1024x4096xf32>
    %dot_general3A_8 = tpu.matmul %get3A_3, %get3A_6, %dot_general3A {dimension_numbers = #tpu.dot_dimension_numbers<[1], [0], [0], [1], [0, 0, 1, 1], [], []>, transpose_lhs_hint = false} : vector<1024x3xf32>, vector<3x4096xf32>, vector<1024x4096xf32> -> vector<1024x4096xf32>
    %broadcast_in_dim3A = vector.shape_cast %reduce_sum3A_7 : vector<4096xf32> to vector<1x4096xf32>
    %mul3A_9 = arith.constant 2.000000e+00 : f32
    %mul3A_10 = vector.broadcast %mul3A_9 : f32 to vector<1024x4096xf32>
    %mul3A_11 = arith.mulf %mul3A_10, %dot_general3A_8 : vector<1024x4096xf32>
    %sub3A = vector.broadcast %broadcast_in_dim3A : vector<1x4096xf32> to vector<1024x4096xf32>
    %sub3A_12 = arith.subf %sub3A, %mul3A_11 : vector<1024x4096xf32>
    %reduce_min3A = arith.constant dense<0x7F800000> : vector<1024xf32>
    %reduce_min3A_13 = vector.multi_reduction <minimumf>, %sub3A_12, %reduce_min3A [1] : vector<1024x4096xf32> to vector<1024xf32>
    %broadcast_in_dim3A_14 = vector.shape_cast %reduce_min3A_13 : vector<1024xf32> to vector<1024x1xf32>
    %eq3A_15 = vector.broadcast %broadcast_in_dim3A_14 : vector<1024x1xf32> to vector<1024x4096xf32>
    %eq3A_16 = arith.cmpf oeq, %sub3A_12, %eq3A_15 : vector<1024x4096xf32>
    %get3A_17 = arith.constant 0 : index
    %get3A_18 = arith.constant 0 : index
    %get3A_19 = vector.load %arg4[%get3A_17, %get3A_18] : memref<1x4096xf32, #tpu.memory_space<vmem>>, vector<1x4096xf32>
    %jit3A = arith.constant 3.276800e+04 : f32
    %broadcast_in_dim3A_20 = vector.shape_cast %get3A_19 : vector<1x4096xf32> to vector<1x4096xf32>
    %broadcast_in_dim3A_21 = vector.broadcast %broadcast_in_dim3A_20 : vector<1x4096xf32> to vector<1024x4096xf32>
    %broadcast_in_dim3A_22 = vector.broadcast %jit3A : f32 to vector<1024x4096xf32>
    %select_n3A = arith.select %eq3A_16, %broadcast_in_dim3A_21, %broadcast_in_dim3A_22 : vector<1024x4096xi1>, vector<1024x4096xf32>
    %reduce_min3A_23 = arith.constant dense<0x7F800000> : vector<1024xf32>
    %reduce_min3A_24 = vector.multi_reduction <minimumf>, %select_n3A, %reduce_min3A_23 [1] : vector<1024x4096xf32> to vector<1024xf32>
    %broadcast_in_dim3A_25 = vector.shape_cast %reduce_min3A_24 : vector<1024xf32> to vector<1024x1xf32>
    %convert_element_type3A_26 = arith.fptosi %broadcast_in_dim3A_25 : vector<1024x1xf32> to vector<1024x1xi32>
    %mul3A_27 = arith.constant 4096 : i32
    %mul3A_28 = arith.muli %arg1, %mul3A_27 : i32
    %add3A = vector.broadcast %mul3A_28 : i32 to vector<1024x1xi32>
    %add3A_29 = arith.addi %convert_element_type3A_26, %add3A : vector<1024x1xi32>
    %get3A_30 = arith.constant 0 : index
    %get3A_31 = arith.constant 0 : index
    %get3A_32 = vector.load %arg6[%get3A_30, %get3A_31] : memref<1024x1xf32, #tpu.memory_space<vmem>>, vector<1024x1xf32>
    %lt3A = arith.cmpf olt, %broadcast_in_dim3A_14, %get3A_32 : vector<1024x1xf32>
    %get3A_33 = arith.constant 0 : index
    %get3A_34 = arith.constant 0 : index
    %get3A_35 = vector.load %arg6[%get3A_33, %get3A_34] : memref<1024x1xf32, #tpu.memory_space<vmem>>, vector<1024x1xf32>
    %select_n3A_36 = arith.select %lt3A, %broadcast_in_dim3A_14, %get3A_35 : vector<1024x1xi1>, vector<1024x1xf32>
    %swap3A = arith.constant 0 : index
    %swap3A_37 = arith.constant 0 : index
    %swap3A_38 = vector.load %arg6[%swap3A, %swap3A_37] : memref<1024x1xf32, #tpu.memory_space<vmem>>, vector<1024x1xf32>
    tpu.vector_store %arg6[%swap3A, %swap3A_37], %select_n3A_36 {strides = array<i32>} : memref<1024x1xf32, #tpu.memory_space<vmem>>, vector<1024x1xf32>,
    %get3A_39 = arith.constant 0 : index
    %get3A_40 = arith.constant 0 : index
    %get3A_41 = vector.load %arg5[%get3A_39, %get3A_40] : memref<1024x1xi32, #tpu.memory_space<vmem>>, vector<1024x1xi32>
    %select_n3A_42 = arith.select %lt3A, %add3A_29, %get3A_41 : vector<1024x1xi1>, vector<1024x1xi32>
    %swap3A_43 = arith.constant 0 : index
    %swap3A_44 = arith.constant 0 : index
    %swap3A_45 = vector.load %arg5[%swap3A_43, %swap3A_44] : memref<1024x1xi32, #tpu.memory_space<vmem>>, vector<1024x1xi32>
    tpu.vector_store %arg5[%swap3A_43, %swap3A_44], %select_n3A_42 {strides = array<i32>} : memref<1024x1xi32, #tpu.memory_space<vmem>>, vector<1024x1xi32>,
    return
  }
  func.func @transform_0(%arg0: i32, %arg1: i32) -> (i32, i32) {
    %c0_i32 = arith.constant 0 : i32
    %c0_i32_0 = arith.constant 0 : i32
    return %arg0, %c0_i32 : i32, i32
  }
  func.func @transform_1(%arg0: i32, %arg1: i32) -> (i32, i32) {
    %c0_i32 = arith.constant 0 : i32
    %c0_i32_0 = arith.constant 0 : i32
    return %c0_i32, %arg1 : i32, i32
  }
  func.func @transform_2(%arg0: i32, %arg1: i32) -> (i32, i32) {
    %c0_i32 = arith.constant 0 : i32
    %c0_i32_0 = arith.constant 0 : i32
    %c0_i32_1 = arith.constant 0 : i32
    return %c0_i32, %c0_i32_0 : i32, i32
  }
  func.func @transform_3(%arg0: i32, %arg1: i32) -> (i32, i32) {
    %c0_i32 = arith.constant 0 : i32
    %c0_i32_0 = arith.constant 0 : i32
    return %arg0, %c0_i32 : i32, i32
  }
}

</mosaic_0001>

<sc_bundles>
// kernel: kernel.5.cloned.1.call-start
scs
__scs_entry_jumppad:
0x0: {  	(pc) =	sbr.rel $0x88, $3  }
0x1: {  	(tag) =	ssettag $0x0;
	lr =	simm.s32 $0x1  }
0x2: {  	[smem:$0x3F9F] =	sst lr;
	_ =	strace $0xD0000000  }
0x3: {  	_ = 	snop  }
0x4: {  	_ = 	snop  }
0x5: {  	_ = 	snop  }
0x6: {  	_ = 	snop  }
0x7: {  	_ = 	snop  }
__scs_overlays_trampoline_lowered:
0x8: {  	[smem:$0x3FAE] =	sst s0  }
0x9: {  	[smem:$0x3FAF] =	sst s1  }
0xa: {  	[smem:$0x3FB0] =	sst s2  }
0xb: {  	[smem:$0x3FB1] =	sst s3  }
0xc: {  	[smem:$0x3FB2] =	sst s4  }
0xd: {  	[smem:$0x3FB3] =	sst s5  }
0xe: {  	[smem:$0x3FB4] =	sst s6  }
0xf: {  	[smem:$0x3FB5] =	sst s7  }
0x10: {  	[smem:$0x3FB6] =	sst s8  }
0x11: {  	[smem:$0x3FB7] =	sst s9;
	s0 =	simm.s32 @!p0 $0x0  }
0x12: {  	s1 =	sld [smem:$0x3F9D];
	s0 =	simm.s32 @p0 $0x1  }
0x13: {  	[smem:$0x3FB8] =	sst s0;
	s0 =	simm.s32 @!p1 $0x0  }
0x14: {  	s2 =	sld [smem:$0x3F9C];
	s0 =	simm.s32 @p1 $0x1  }
0x15: {  	[smem:$0x3FB9] =	sst s0;
	s0 =	simm.s32 @!p2 $0x0  }
0x16: {  	s3 =	sld [smem:$0x3FDB];
	s0 =	simm.s32 @p2 $0x1  }
0x17: {  	s4 =	simm.s32 $0x1BF5;
	[smem:$0x3FBB] =	sst s0  }
0x18: {  	s0 =	sld [smem:$0x3F9E];
	_ =	swait.ge [sflag:s4], $0x0  }
0x19: {  	s7 =	sld [smem:$0x3F9F]  }
0x1a: {  	s8 =	sadd.s32 $0xFFFFE003, lr  }
0x1b: {  	s9 =	sadd.s32 $0xFFFFFEF7, lr;
	s5 =	simm.s32 $0xFFFFFFFF;
	p2 =	slt.u32 s8, $0xFFFFF086  }
0x1c: {  	p1 =	slt.u32 s9, $0xF7A;
	s5 =	simm.s32 @!p2 $0x0  }
0x1d: {  	s5 =	simm.s32 @p1 $0x1;
	p0 =	seq.s32 s7, s2  }
0x1e: {  	s7 =	smul.u32 @!p0 $0xF7A, s2;
	p2 =	seq.s32 @!p0 s5, $0x0  }
0x1f: {  	s9 =	smul.u32 $0xF7A, s1;
	s8 =	simm.s32 @!p0 $0x1BF5;
	p2 =	por !p2, p0  }
0x20: {  	[sflag:s8] =	ssyncset.s32 @!p0 $0xFFFFF086;
	s6 =	sadd.s32 @!p0 s3, s7;
	s7 =	simm.s32 @!p0 $0x108  }
0x21: {  	s3 =	sadd.s32 s3, s9;
	s6 =	sadd.s32 @!p0 $0x88, s6;
	s7 =	simm.s32 @p2 $0x1082  }
0x22: {  	[simem:s7], [sflag:s8] =	dma.local @!p0 [hbm:s6], $0xF7A  }
0x23: {  	s9 =	sor.u32 $0xD0000000, s2;
	s6 =	simm.s32 $0x108;
	_ =	swait.ge @!p0 [sflag:s8], $0x0  }
0x24: {  	s3 =	sadd.s32 $0x88, s3;
	s6 =	simm.s32 @!p1 $0x1082;
	[sflag:s4] =	ssyncset.s32 $0xFFFFF086  }
0x25: {  	[simem:s6], [sflag:s4] =	dma.local [hbm:s3], $0xF7A  }
0x26: {  	[smem:$0x3F9F] =	sst s1;
	(tag) =	ssettag s2;
	_ =	strace s9  }
0x27: {  	s1 =	sld [smem:$0x3FAF]  }
0x28: {  	s2 =	sld [smem:$0x3FB0]  }
0x29: {  	s4 =	sld [smem:$0x3FB2]  }
0x2a: {  	p0 =	seq.s32 s5, $0x0;
	s5 =	sld [smem:$0x3FB3]  }
0x2b: {  	s6 =	sld [smem:$0x3FB4]  }
0x2c: {  	s7 =	sld [smem:$0x3FB5]  }
0x2d: {  	s3 =	simm.s32 $0x108;
	s8 =	sld [smem:$0x3FB6]  }
0x2e: {  	s3 =	simm.s32 @!p0 $0x1082;
	s9 =	sld [smem:$0x3FB7]  }
0x2f: {  	lr =	sadd.s32 s0, s3;
	s0 =	sld [smem:$0x3FAE]  }
0x30: {  	s3 =	sld [smem:$0x3FB1]  }
0x31: {  	[smem:$0x3FBA] =	sst s10  }
0x32: {  	s10 =	sld [smem:$0x3FB8];
	_ =	sdelay $0x3  }
0x33: {  	p0 =	seq.s32 s10, $0x1;
	s10 =	sld [smem:$0x3FBA];
	_ =	sdelay $0x3  }
0x34: {  	[smem:$0x3FBA] =	sst s10  }
0x35: {  	s10 =	sld [smem:$0x3FB9];
	_ =	sdelay $0x3  }
0x36: {  	p1 =	seq.s32 s10, $0x1;
	s10 =	sld [smem:$0x3FBA];
	_ =	sdelay $0x3  }
0x37: {  	[smem:$0x3FBA] =	sst s10  }
0x38: {  	s10 =	sld [smem:$0x3FBB]  }
0x39: {  	_ = 	snop;
	(pc) =	sbr.ind lr, $3  }
0x3a: {  	_ = 	snop  }
0x3b: {  	_ = 	snop  }
0x3c: {  	p2 =	seq.s32 s10, $0x1;
	s10 =	sld [smem:$0x3FBA]  }
0x3d: {  	_ =	shalt  }
0x3e: {  	_ =	shalt  }
0x3f: {  	_ =	shalt  }
0x40: {  	_ =	shalt  }
0x41: {  	_ =	shalt  }
0x42: {  	_ =	shalt  }
0x43: {  	_ =	shalt  }
0x44: {  	_ =	shalt  }
0x45: {  	_ =	shalt  }
0x46: {  	_ =	shalt  }
0x47: {  	_ =	shalt  }
0x48: {  	_ =	shalt  }
0x49: {  	_ =	shalt  }
0x4a: {  	_ =	shalt  }
0x4b: {  	_ =	shalt  }
0x4c: {  	_ =	shalt  }
0x4d: {  	_ =	shalt  }
0x4e: {  	_ =	shalt  }
0x4f: {  	_ =	shalt  }
0x50: {  	_ =	shalt  }
0x51: {  	_ =	shalt  }
0x52: {  	_ =	shalt  }
0x53: {  	_ =	shalt  }
0x54: {  	_ =	shalt  }
0x55: {  	_ =	shalt  }
0x56: {  	_ =	shalt  }
0x57: {  	_ =	shalt  }
0x58: {  	_ =	shalt  }
0x59: {  	_ =	shalt  }
0x5a: {  	_ =	shalt  }
0x5b: {  	_ =	shalt  }
0x5c: {  	_ =	shalt  }
0x5d: {  	_ =	shalt  }
0x5e: {  	_ =	shalt  }
0x5f: {  	_ =	shalt  }
0x60: {  	_ =	shalt  }
0x61: {  	_ =	shalt  }
0x62: {  	_ =	shalt  }
0x63: {  	_ =	shalt  }
0x64: {  	_ =	shalt  }
0x65: {  	_ =	shalt  }
0x66: {  	_ =	shalt  }
0x67: {  	_ =	shalt  }
0x68: {  	_ =	shalt  }
0x69: {  	_ =	shalt  }
0x6a: {  	_ =	shalt  }
0x6b: {  	_ =	shalt  }
0x6c: {  	_ =	shalt  }
0x6d: {  	_ =	shalt  }
0x6e: {  	_ =	shalt  }
0x6f: {  	_ =	shalt  }
0x70: {  	_ =	shalt  }
0x71: {  	_ =	shalt  }
0x72: {  	_ =	shalt  }
0x73: {  	_ =	shalt  }
0x74: {  	_ =	shalt  }
0x75: {  	_ =	shalt  }
0x76: {  	_ =	shalt  }
0x77: {  	_ =	shalt  }
0x78: {  	_ =	shalt  }
0x79: {  	_ =	shalt  }
0x7a: {  	_ =	shalt  }
0x7b: {  	_ =	shalt  }
0x7c: {  	_ =	shalt  }
0x7d: {  	_ =	shalt  }
0x7e: {  	_ =	shalt  }
0x7f: {  	_ =	shalt  }
0x80: {  	_ =	shalt  }
0x81: {  	_ =	shalt  }
0x82: {  	_ =	shalt  }
0x83: {  	_ =	shalt  }
0x84: {  	_ =	shalt  }
0x85: {  	_ =	shalt  }
0x86: {  	_ =	shalt  }
0x87: {  	_ =	shalt  }
.Lfunc_end0:
.L_simem_size_0:
called_computation_lowered:
.L_overlay_start_0:
0x88: {  	s2 =	sld [smem:$0x3FD9]  }
0x89: {  	s3 =	sld [smem:$0x3FFE];
	_ =	sdelay $0x1  }
0x8a: {  	s1 =	srdreg.scid  }
0x8b: {  	s0 =	sand.u32 $0x1, s1  }
0x8c: {  	s14 =	sshll.u32 s0, $0xA;
	s2 =	sadd.s32 s3, s2  }
0x8d: {  	s2 =	sadd.s32 s2, s14  }
0x8e: {  	[smem:$0x3FC6] =	sst s2  }
0x8f: {  	_ = 	snop  }
0x90: {  	s2 =	sld [smem:$0x3FD0];
	_ =	sdelay $0x2  }
0x91: {  	s15 =	simm.s32 $0xA;
	s4 =	simm.s32 $0x10  }
0x92: {  	[smem:s4], [sflag:s15] =	dma.local [hbm:s2], $0x1  }
0x93: {  	_ =	swait.eq [sflag:s15], $0x1  }
0x94: {  	[sflag:s15] =	ssyncset.done $0x0  }
0x95: {  	[sflag:s15] =	ssyncadd.s32 $0xFFFFFFFF  }
0x96: {  	s16 =	sld [smem:$0x11];
	(tm) =	ssettm $0x1  }
0x97: {  	s17 =	sld [smem:$0x3FFB];
	_ =	sdelay $0x3  }
0x98: {  	_ =	strace s17  }
0x99: {  	s3 =	sld [smem:$0x3FFC];
	_ =	sdelay $0x3  }
0x9a: {  	_ =	strace s3  }
0x9b: {  	s3 =	sld [smem:$0x3FFD];
	_ =	sdelay $0x3  }
0x9c: {  	_ =	strace s3  }
0x9d: {  	_ =	strace $0x8FFFFFFF  }
0x9e: {  	s18 =	sld [smem:$0x3FDB];
	_ =	sdelay $0x1  }
0x9f: {  	s19 =	simm.s32 $_scs_section_size  }
0xa0: {  	s5 =	simm.s32 $_size__tile_overlayer_lowered;
	s6 =	simm.s32 $_tile_overlayer_lowered  }
0xa1: {  	s22 =	simm.s32 $0x1BFF;
	s21 =	sshll.u32 s6, $0x1;
	s3 =	sadd.s32 s19, s18  }
0xa2: {  	s7 =	simm.s32 $0x0;
	s20 =	sshll.u32 s5, $0x1;
	s5 =	sadd.s32 s21, s3  }
0xa3: {  	[timem:s7], [sflag:s22] =	dma.local [hbm:s5], s20  }
0xa4: {  	_ =	swait.ge [sflag:s22], s20  }
0xa5: {  	s4 =	ssub.s32 $0x0, s20;
	[sflag:s22] =	ssyncset.done $0x0  }
0xa6: {  	[sflag:s22] =	ssyncadd.s32 s4;
	_ =	sdelay $0x1  }
0xa7: {  	s23 =	simm.s32 $0x1B8B  }
0xa8: {  	_ =	swait.ge [sflag:s23], $0x1  }
0xa9: {  	[sflag:s23] =	ssyncset.done $0x0  }
0xaa: {  	s25 =	simm.s32 $0x1B8E;
	s24 =	sld [smem:$0x3FFE];
	[sflag:s23] =	ssyncadd.s32 $0xFFFFFFFF  }
0xab: {  	s26 =	simm.s32 $execute0_lowered;
	[smem:$0x3FD2] =	sst s25  }
0xac: {  	s5 =	sshll.u32 s26, $0x1;
	_ =	strace $0x80000046;
	[dreg:$0x1] =	wrdreg $0xFFFFFFFF  }
0xad: {  	s28 =	simm.s32 $_size_execute0_lowered;
	s3 =	sadd.s32 s3, s5;
	[dreg:$0x0] =	wrdreg $0x0  }
0xae: {  	s5 =	sshll.u32 s28, $0x1;
	[dreg:$0x2] =	wrdreg s3  }
0xaf: {  	[dreg:$0x3] =	wrdreg s5  }
0xb0: {  	[dreg:$0x4] =	wrdreg $0xC0  }
0xb1: {  	_ =	task [dreg:s7], $0x5FFFF  }
0xb2: {  	[dreg:$0x1] =	wrdreg $0xFFFFFFFF  }
0xb3: {  	[dreg:$0x0] =	wrdreg $0x60  }
0xb4: {  	[dreg:$0x2] =	wrdreg s24  }
0xb5: {  	[dreg:$0x3] =	wrdreg s16  }
0xb6: {  	[dreg:$0x4] =	wrdreg $0x65000  }
0xb7: {  	[dreg:$0x5] =	wrdreg $0x75000  }
0xb8: {  	[dreg:$0x6] =	wrdreg $0x85000  }
0xb9: {  	[dreg:$0x7] =	wrdreg $0x9  }
0xba: {  	_ =	task.clear_ibuf [dreg:s7], $0x8FFFF;
	_ =	strace $0x90000046  }
0xbb: {  	s29 =	simm.s32 $0x9;
	_ =	strace $0x80000048  }
0xbc: {  	_ =	swait.ge [sflag:s29], $0x1  }
0xbd: {  	[sflag:s29] =	ssyncadd.s32 $0xFFFFFFFF  }
0xbe: {  	_ =	strace $0x90000048  }
0xbf: {  	_ =	sfence  }
0xc0: {  	s30 =	sld [smem:$0x0];
	_ =	sdelay $0x2  }
0xc1: {  	s31 =	sshll.u32 s1, $0xD;
	s1 =	sshrl.u32 s1, $0x2  }
0xc2: {  	s3 =	sand.u32 $0x4000, s31;
	s1 =	sadd.s32 s1, s30  }
0xc3: {  	s0 =	sor.u32 s3, s0;
	s1 =	sshll.u32 s1, $0x11  }
0xc4: {  	s0 =	sor.u32 s1, s0  }
0xc5: {  	s0 =	sadd.s32 $0x8F2B, s0  }
0xc6: {  	[sflag:s0] =	ssyncadd.remote.s32 $0x1  }
0xc7: {  	_ =	sfence.sel $0xFFFF  }
0xc8: {  	[dreg:$0x0] =	wrdreg $0xFFFFFFFF;
	(pc) =	sbr.abs _section_cstart, $3  }
0xc9: {  	[dreg:$0x1] =	wrdreg $0xFFFFFFFF  }
0xca: {  	_ =	task.clear_ibuf [dreg:s7], $0x2FFFF;
	_ =	strace $0x9FFFFFFF  }
0xcb: {  	(tm) =	ssettm $0x7FFFFFFF  }
tec
execute0_lowered:
.L_overlay_start_1:
0x0: {  	(tag) =	ssettag $0x1  }
0x1: {  	s1 =	srdreg.scid  }
0x2: {  	s4 =	rddreg [dreg:$0x0];
	s1 =	sand.u32 $0x1, s1  }
0x3: {  	s2 =	rddreg [dreg:$0x1];
	p0 =	seq.s32 s1, $0x1  }
.Ltmp0:
0x4: {  	s7 =	rddreg [dreg:$0x2];
	(pc) =	sbr.rel @p0 .LBB2_8-.Ltmp0, $4  }
0x5: {  	s6 =	rddreg [dreg:$0x3]  }
0x6: {  	s3 =	rddreg [dreg:$0x4];
	s5 =	simm.s32 $0x0  }
0x7: {  	[smem:$0x7FF] =	sst s5  }
0x8: {  	s0 =	rddreg [dreg:$0x5];
	_ =	strace $0x80000047;
	s1 =	stileid.u32  }
0x9: {  	s8 =	sadd.s32 $0x8800, s4;
	s11 =	sshll.u32 s1, $0x5  }
0xa: {  	s12 =	simm.s32 $0x2;
	s9 =	sadd.s32 s8, s11  }
0xb: {  	[tilespmem:s5], [sflag:$0x2] =	stream.linear.gather [hbm4b:s9+s5], $0x80, $0x38;
	[tilespmem:$0x8600] =	vst v63  }
0xc: {  	_ =	swait.ge [sflag:s12], $0x80  }
0xd: {  	s24 =	sadd.s32 $0x8600, s4;
	[sflag:s12] =	ssyncset.done $0x0  }
0xe: {  	s10 =	simm.s32 $0x100;
	s13 =	sadd.s32 s24, s11;
	[sflag:s12] =	ssyncadd.s32 $0xFFFFFF80  }
0xf: {  	[tilespmem:s10], [sflag:$0x2] =	stream.linear.gather [hbm4b:s13+s5], $0x80, $0x38;
	[tilespmem:$0x8600] =	vst v63  }
0x10: {  	_ =	swait.ge [sflag:s12], $0x80  }
0x11: {  	s25 =	sor.u32 $0x10, s11;
	[sflag:s12] =	ssyncset.done $0x0  }
0x12: {  	s14 =	simm.s32 $0x80;
	s8 =	sadd.s32 s8, s25;
	[sflag:s12] =	ssyncadd.s32 $0xFFFFFF80  }
0x13: {  	[tilespmem:s14], [sflag:$0x2] =	stream.linear.gather [hbm4b:s8+s5], $0x80, $0x38;
	[tilespmem:$0x8600] =	vst v63  }
0x14: {  	_ =	swait.ge [sflag:s12], $0x80  }
0x15: {  	[sflag:s12] =	ssyncset.done $0x0  }
0x16: {  	s28 =	simm.s32 $0x180;
	s26 =	sadd.s32 s24, s25;
	[sflag:s12] =	ssyncadd.s32 $0xFFFFFF80  }
0x17: {  	[tilespmem:s28], [sflag:$0x2] =	stream.linear.gather [hbm4b:s26+s5], $0x80, $0x38;
	[tilespmem:$0x8600] =	vst v63  }
0x18: {  	_ =	swait.ge [sflag:s12], $0x80  }
0x19: {  	s29 =	sshll.u32 s1, $0xC;
	s30 =	simm.s32 $0x200;
	[sflag:s12] =	ssyncset.done $0x0  }
0x1a: {  	s31 =	sshll.u32 s1, $0x8;
	s2 =	sadd.s32 s2, s11;
	[sflag:s12] =	ssyncadd.s32 $0xFFFFFF80  }
0x1b: {  	[tilespmem:s30], [sflag:$0x2] =	stream.linear.gather [hbm4b:s13+s5], $0x100, $0x38;
	[tilespmem:$0x8600] =	vst v63  }
0x1c: {  	s11 =	simm.s32 $0x0;
	s9 =	sadd.s32 s29, s7;
	_ =	swait.ge [sflag:s12], $0x100  }
0x1d: {  	s10 =	sadd.s32 $0x600, s4;
	s4 =	sadd.s32 s31, s3;
	[sflag:s12] =	ssyncset.done $0x0  }
0x1e: {  	v0 =	vimm.f32 $0.0e+00;
	v1 =	vimm.f32 $1.000000000e+00;
	s8 =	sadd.s32 s29, s6;
	s5 =	simm.s32 $0x40;
	[sflag:s12] =	ssyncadd.s32 $0xFFFFFF00  }
.LBB2_2:
0x1f: {  	p0 =	sne.s32 s5, $0x3FC0;
	[tilespmem:s11+$0x1300] =	vst v0;
	s12 =	smov.u32 s5;
	s5 =	sadd.s32 $0x40, s5  }
.Ltmp1:
0x20: {  	[tilespmem:s11+$0x2300] =	vst v1;
	(pc) =	sbr.rel @p0 .LBB2_2-.Ltmp1, $2  }
0x21: {  	_ =	sdelay $0x2  }
0x22: {  	s11 =	sshra.s32 s12, $0x2  }
0x23: {  	[tilespmem:s11+$0x1300] =	vst v0;
	s24 =	simm.s32 $0x80  }
0x24: {  	[tilespmem:s11+$0x2300] =	vst v1;
	s5 =	simm.s32 $0x0;
	s12 =	simm.s32 $0x300;
	s13 =	simm.s32 $0x1  }
0x25: {  	[tilespmem:s12], [sflag:$0x1] =	stream.indirect.gather [hbm4b:s10+s24], $0x10, s5, s24, $0xb8;
	[tilespmem:$0x8600] =	vst v63  }
0x26: {  	_ =	swait.ge [sflag:s13], $0x800  }
0x27: {  	[sflag:s13] =	ssyncset.done $0x0  }
0x28: {  	s14 =	simm.s32 $0xB00;
	[sflag:s13] =	ssyncadd.s32 $0xFFFFF800  }
0x29: {  	[tilespmem:s14], [sflag:$0x1] =	stream.indirect.gather [hbm4b:s10+s24], $0x10, s24, s24, $0xb8;
	[tilespmem:$0x8600] =	vst v63  }
0x2a: {  	_ =	swait.ge [sflag:s13], $0x800  }
0x2b: {  	[sflag:s13] =	ssyncset.done $0x0  }
0x2c: {  	s25 =	simm.s32 $0x1300;
	s26 =	simm.s32 $0x2;
	[sflag:s13] =	ssyncadd.s32 $0xFFFFF800  }
0x2d: {  	[spmem:s9] =	stream.linear.scatter [tilespmem:s25], [sflag:$0x2], $0x1000, $0x38;
	[tilespmem:$0x8600] =	vst v63  }
0x2e: {  	_ =	swait.ge [sflag:s26], $0x1000  }
0x2f: {  	[sflag:s26] =	ssyncset.done $0x0  }
0x30: {  	[sflag:s26] =	ssyncadd.s32 $0xFFFFF000  }
0x31: {  	[spmem:s8] =	stream.linear.scatter [tilespmem:s25], [sflag:$0x2], $0x1000, $0x38;
	[tilespmem:$0x8600] =	vst v63  }
0x32: {  	_ =	swait.ge [sflag:s26], $0x1000  }
0x33: {  	[sflag:s26] =	ssyncset.done $0x0  }
0x34: {  	[sflag:s26] =	ssyncadd.s32 $0xFFFFF000  }
0x35: {  	s28 =	simm.s32 $0x100;
	[bflag:$0x0] =	sbarrier.arrive $0xFFFF  }
0x36: {  	[spmem:s7] =	stream.indirect.scatter.add.f32 [tilespmem:s12], [sflag:$0x2], $0x10, s28, s24, $0xb8;
	[tilespmem:$0x8600] =	vst v63  }
0x37: {  	_ =	swait.ge [sflag:s26], $0x800  }
0x38: {  	[sflag:s26] =	ssyncset.done $0x0  }
0x39: {  	s29 =	simm.s32 $0x2300;
	[sflag:s26] =	ssyncadd.s32 $0xFFFFF800  }
0x3a: {  	[spmem:s6] =	stream.indirect.scatter.add.f32 [tilespmem:s29], [sflag:$0x2], $0x10, s28, s24, $0xb8;
	[tilespmem:$0x8600] =	vst v63  }
0x3b: {  	_ =	swait.ge [sflag:s26], $0x800  }
0x3c: {  	[sflag:s26] =	ssyncset.done $0x0  }
0x3d: {  	s30 =	simm.s32 $0x180;
	[sflag:s26] =	ssyncadd.s32 $0xFFFFF800  }
0x3e: {  	[spmem:s7] =	stream.indirect.scatter.add.f32 [tilespmem:s14], [sflag:$0x2], $0x10, s30, s24, $0xb8;
	[tilespmem:$0x8600] =	vst v63  }
0x3f: {  	_ =	swait.ge [sflag:s26], $0x800  }
0x40: {  	[sflag:s26] =	ssyncset.done $0x0  }
0x41: {  	s31 =	simm.s32 $0x2B00;
	[sflag:s26] =	ssyncadd.s32 $0xFFFFF800  }
0x42: {  	[spmem:s6] =	stream.indirect.scatter.add.f32 [tilespmem:s31], [sflag:$0x2], $0x10, s30, s24, $0xb8;
	[tilespmem:$0x8600] =	vst v63  }
0x43: {  	_ =	swait.ge [sflag:s26], $0x800  }
0x44: {  	[sflag:s26] =	ssyncset.done $0x0  }
0x45: {  	[sflag:s26] =	ssyncadd.s32 $0xFFFFF800  }
0x46: {  	s6 =	simm.s32 $0x3300;
	[bflag:$0x0] =	sbarrier.arrive $0xFFFF  }
0x47: {  	[tilespmem:s6], [sflag:$0x2] =	stream.linear.gather [spmem:s9], $0x1000, $0x38;
	[tilespmem:$0x8600] =	vst v63  }
0x48: {  	_ =	swait.ge [sflag:s26], $0x1000  }
0x49: {  	[sflag:s26] =	ssyncset.done $0x0  }
0x4a: {  	s7 =	simm.s32 $0x4300;
	[sflag:s26] =	ssyncadd.s32 $0xFFFFF000  }
0x4b: {  	[tilespmem:s7], [sflag:$0x2] =	stream.linear.gather [spmem:s8], $0x1000, $0x38;
	[tilespmem:$0x8600] =	vst v63  }
0x4c: {  	_ =	swait.ge [sflag:s26], $0x1000  }
0x4d: {  	[sflag:s26] =	ssyncset.done $0x0  }
0x4e: {  	v0 =	vlaneseq.u32;
	s8 =	simm.s32 $0x0;
	[sflag:s26] =	ssyncadd.s32 $0xFFFFF000  }
.LBB2_4:
0x4f: {  	v1 =	vld [tilespmem:s7+$0x0];
	_ =	sdelay $0x4  }
0x50: {  	v1 =	vmax.f32 v1, $1.000000000e+00  }
0x51: {  	(erf) = vrcp.f32 v1;
	_ =	sdelay $0x1  }
0x52: {  	s9 =	sadd.s32 $0x10, s7  }
0x53: {  	v1 =	vld [tilespmem:s9+$0x0];
	_ =	sdelay $0x2  }
0x54: {  	s9 =	sadd.s32 $0x10, s9  }
0x55: {  	v3 =	vld [tilespmem:s9+$0x0]  }
0x56: {  	v2 =	vld [tilespmem:s6+$0x0];
	v1 =	vmax.f32 v1, $1.000000000e+00  }
0x57: {  	v4 =	vpop (erf);
	(erf) = vrcp.f32 v1;
	_ =	sdelay $0x2  }
0x58: {  	s9 =	sadd.s32 $0x10, s9;
	v1 =	vmax.f32 v3, $1.000000000e+00  }
0x59: {  	s10 =	sadd.s32 $0x10, s6;
	v4 =	vmul.f32 v4, v2;
	(erf) = vrcp.f32 v1;
	v1 =	vld [tilespmem:s9+$0x0]  }
0x5a: {  	v2 =	vld [tilespmem:s10+$0x0]  }
0x5b: {  	(xrf0) =	vmax.scan.msk.f32 $0xffff, v4;
	_ =	sdelay $0x2  }
0x5c: {  	v7 =	vpop (erf)  }
0x5d: {  	s13 =	sadd.s32 $0x10, s10;
	v8 =	vmax.f32 v1, $1.000000000e+00;
	v1 =	vmul.f32 v7, v2  }
0x5e: {  	s15 =	sadd.s32 $0x10, s9;
	v3 =	vld [tilespmem:s13+$0x0]  }
0x5f: {  	v5 =	vld [tilespmem:s15+$0x0];
	v6, _, _ =	vpop (xrf0);
	(erf) = vrcp.f32 v8;
	(xrf0) =	vmax.scan.msk.f32 $0xffff, v1  }
0x60: {  	v6 =	vbroadcast v6, $0xF;
	_ =	sdelay $0x1  }
0x61: {  	s12 =	simm.s32 $0x1;
	v7 =	vpop (erf);
	vm0 =	veq.f32 v4, v6  }
0x62: {  	s11 =	simm.s32 $0x2;
	s14 =	simm.s32 $0x5;
	s13 =	sadd.s32 $0x10, s13;
	v3 =	vmul.f32 v7, v3;
	v7 =	vmov s5;
	v4 =	vmctz.xlane vm0  }
0x63: {  	s15 =	sadd.s32 $0x10, s15;
	s10 =	simm.s32 $0x3;
	s9 =	simm.s32 $0x4;
	v2 =	vimm.s32 $0x0;
	v6 =	vmax.f32 v5, $1.000000000e+00;
	v5 =	vld [tilespmem:s13+$0x0];
	vm0 =	veq.s32 v7, v0  }
.LBB2_5:
0x64: {  	v7 =	vld [tilespmem:s15+$0x0];
	p0 =	sne.s32 s14, $0xF;
	(erf) = vrcp.f32 v6;
	(xrf0) =	vmax.scan.msk.f32 $0xffff, v3;
	v6, _, _ =	vpop (xrf0);
	v2 =	vsel vm0, v4, v2;
	s16 =	smov.u32 s14;
	s14 =	sadd.s32 $0x1, s14  }
.Ltmp2:
0x65: {  	v4 =	vbroadcast v6, $0xF;
	(pc) =	sbr.rel @p0 .LBB2_5-.Ltmp2, $4  }
0x66: {  	_ = 	snop  }
0x67: {  	v6 =	vpop (erf);
	vm0 =	veq.f32 v1, v4;
	v1 =	vmov v3  }
0x68: {  	s13 =	sadd.s32 $0x10, s13;
	v8 =	vmov s12;
	s12 =	smov.u32 s11;
	s11 =	smov.u32 s10;
	v3 =	vmul.f32 v6, v5;
	v4 =	vmctz.xlane vm0  }
0x69: {  	s15 =	sadd.s32 $0x10, s15;
	s10 =	smov.u32 s9;
	s9 =	smov.u32 s16;
	vm0 =	veq.s32 v8, v0;
	v6 =	vmax.f32 v7, $1.000000000e+00;
	v5 =	vld [tilespmem:s13+$0x0]  }
0x6a: {  	(erf) = vrcp.f32 v6;
	_ =	sdelay $0x3  }
0x6b: {  	s13 =	sadd.s32 $0x10, s13  }
0x6c: {  	v56 =	vld [tilespmem:s13+$0x0];
	_ =	sdelay $0x2  }
0x6d: {  	(xrf0) =	vmax.scan.msk.f32 $0xffff, v3;
	v7 =	vpop (erf)  }
0x6e: {  	v5 =	vmul.f32 v7, v5;
	v57 =	vpop (erf)  }
0x6f: {  	v6 =	vmul.f32 v57, v56  }
0x70: {  	(xrf0) =	vmax.scan.msk.f32 $0xffff, v5  }
0x71: {  	v58, _, _ =	vpop (xrf0);
	(xrf0) =	vmax.scan.msk.f32 $0xffff, v6;
	_ =	sdelay $0x1  }
0x72: {  	v7 =	vbroadcast v58, $0xF;
	v8, _, _ =	vpop (xrf0)  }
0x73: {  	v8 =	vbroadcast v8, $0xF  }
0x74: {  	v2 =	vsel vm0, v4, v2;
	vm9 =	veq.f32 v1, v7  }
0x75: {  	v1 =	vmctz.xlane vm9;
	vm1 =	veq.f32 v3, v8;
	v3 =	vmov s12;
	v60, _, _ =	vpop (xrf0)  }
0x76: {  	v62 =	vmov s10;
	vm10 =	veq.s32 v3, v0;
	v7 =	vbroadcast v60, $0xF;
	v61, _, _ =	vpop (xrf0)  }
0x77: {  	v63 =	vmov s9;
	s31 =	sshll.u32 s8, $0x4;
	s8 =	sadd.s32 $0x1, s8;
	v1 =	vsel vm10, v1, v2;
	v2 =	vbroadcast v61, $0xF  }
0x78: {  	p0 =	sne.s32 s8, $0x10;
	v59 =	vmctz.xlane vm1;
	v3 =	vmov s11;
	vm12 =	veq.f32 v5, v7  }
.Ltmp3:
0x79: {  	vm11 =	veq.s32 v3, v0;
	v3 =	vmctz.xlane vm12;
	vm13 =	veq.f32 v6, v2;
	(pc) =	sbr.rel @p0 .LBB2_4-.Ltmp3, $4  }
0x7a: {  	vm14 =	veq.s32 v62, v0;
	v1 =	vsel vm11, v59, v1;
	v2 =	vmctz.xlane vm13  }
0x7b: {  	vm15 =	veq.s32 v63, v0;
	v1 =	vsel vm14, v3, v1  }
0x7c: {  	s9 =	sand.u32 $0x3FFFFFF0, s31;
	v1 =	vsel vm15, v2, v1  }
0x7d: {  	s7 =	sadd.s32 $0x100, s7;
	s6 =	sadd.s32 $0x100, s6;
	[tilespmem:s9+$0x5300] =	vst v1  }
0x7e: {  	s5 =	simm.s32 $0x5300;
	s28 =	simm.s32 $0x2  }
0x7f: {  	[spmem:s4] =	stream.linear.scatter [tilespmem:s5], [sflag:$0x2], $0x100, $0x38;
	[tilespmem:$0x8600] =	vst v63  }
0x80: {  	_ =	swait.ge [sflag:s28], $0x100  }
0x81: {  	[sflag:s28] =	ssyncset.done $0x0  }
0x82: {  	[sflag:s28] =	ssyncadd.s32 $0xFFFFFF00  }
0x83: {  	s29 =	simm.s32 $0x5400;
	[bflag:$0x0] =	sbarrier.arrive $0xFFFF  }
0x84: {  	[tilespmem:s29], [sflag:$0x2] =	stream.linear.gather [spmem:s3], $0x1000, $0x38;
	[tilespmem:$0x8600] =	vst v63  }
0x85: {  	_ =	swait.ge [sflag:s28], $0x1000  }
0x86: {  	[sflag:s28] =	ssyncset.done $0x0  }
0x87: {  	[sflag:s28] =	ssyncadd.s32 $0xFFFFF000  }
0x88: {  	v0 =	vld [tilespmem:$0x200];
	_ =	sdelay $0x5  }
0x89: {  	v1 =	vld [tilespmem:$0x210];
	_ =	sdelay $0x1  }
0x8a: {  	v0 =	vld.idx.msk [tilespmem:v0+s29+$0x0], $0xffff;
	_ =	sdelay $0x3  }
0x8b: {  	v2 =	vld [tilespmem:$0x220]  }
0x8c: {  	[tilespmem:$0x6400] =	vst v0  }
0x8d: {  	v0 =	vld.idx.msk [tilespmem:v1+s29+$0x0], $0xffff;
	_ =	sdelay $0x3  }
0x8e: {  	v51 =	vld [tilespmem:$0x230]  }
0x8f: {  	[tilespmem:$0x6410] =	vst v0  }
0x90: {  	v0 =	vld.idx.msk [tilespmem:v2+s29+$0x0], $0xffff;
	_ =	sdelay $0x3  }
0x91: {  	v52 =	vld [tilespmem:$0x240]  }
0x92: {  	[tilespmem:$0x6420] =	vst v0  }
0x93: {  	v0 =	vld.idx.msk [tilespmem:v51+s29+$0x0], $0xffff;
	_ =	sdelay $0x3  }
0x94: {  	v53 =	vld [tilespmem:$0x250]  }
0x95: {  	[tilespmem:$0x6430] =	vst v0  }
0x96: {  	v0 =	vld.idx.msk [tilespmem:v52+s29+$0x0], $0xffff;
	_ =	sdelay $0x3  }
0x97: {  	v54 =	vld [tilespmem:$0x260]  }
0x98: {  	[tilespmem:$0x6440] =	vst v0  }
0x99: {  	v0 =	vld.idx.msk [tilespmem:v53+s29+$0x0], $0xffff;
	_ =	sdelay $0x3  }
0x9a: {  	v55 =	vld [tilespmem:$0x270]  }
0x9b: {  	[tilespmem:$0x6450] =	vst v0  }
0x9c: {  	v0 =	vld.idx.msk [tilespmem:v54+s29+$0x0], $0xffff;
	_ =	sdelay $0x3  }
0x9d: {  	v56 =	vld [tilespmem:$0x280]  }
0x9e: {  	[tilespmem:$0x6460] =	vst v0  }
0x9f: {  	v0 =	vld.idx.msk [tilespmem:v55+s29+$0x0], $0xffff;
	_ =	sdelay $0x3  }
0xa0: {  	v57 =	vld [tilespmem:$0x290]  }
0xa1: {  	[tilespmem:$0x6470] =	vst v0  }
0xa2: {  	v0 =	vld.idx.msk [tilespmem:v56+s29+$0x0], $0xffff;
	_ =	sdelay $0x3  }
0xa3: {  	v58 =	vld [tilespmem:$0x2A0]  }
0xa4: {  	[tilespmem:$0x6480] =	vst v0  }
0xa5: {  	v0 =	vld.idx.msk [tilespmem:v57+s29+$0x0], $0xffff;
	_ =	sdelay $0x3  }
0xa6: {  	v59 =	vld [tilespmem:$0x2B0]  }
0xa7: {  	[tilespmem:$0x6490] =	vst v0  }
0xa8: {  	v0 =	vld.idx.msk [tilespmem:v58+s29+$0x0], $0xffff;
	_ =	sdelay $0x3  }
0xa9: {  	v60 =	vld [tilespmem:$0x2C0]  }
0xaa: {  	[tilespmem:$0x64A0] =	vst v0  }
0xab: {  	v0 =	vld.idx.msk [tilespmem:v59+s29+$0x0], $0xffff;
	_ =	sdelay $0x3  }
0xac: {  	v61 =	vld [tilespmem:$0x2D0]  }
0xad: {  	[tilespmem:$0x64B0] =	vst v0  }
0xae: {  	v0 =	vld.idx.msk [tilespmem:v60+s29+$0x0], $0xffff;
	_ =	sdelay $0x3  }
0xaf: {  	v62 =	vld [tilespmem:$0x2E0]  }
0xb0: {  	[tilespmem:$0x64C0] =	vst v0  }
0xb1: {  	v0 =	vld.idx.msk [tilespmem:v61+s29+$0x0], $0xffff;
	_ =	sdelay $0x3  }
0xb2: {  	v63 =	vld [tilespmem:$0x2F0]  }
0xb3: {  	[tilespmem:$0x64D0] =	vst v0  }
0xb4: {  	v0 =	vld.idx.msk [tilespmem:v62+s29+$0x0], $0xffff;
	_ =	sdelay $0x4  }
0xb5: {  	[tilespmem:$0x64E0] =	vst v0  }
0xb6: {  	v0 =	vld.idx.msk [tilespmem:v63+s29+$0x0], $0xffff;
	_ =	sdelay $0x4  }
0xb7: {  	s30 =	simm.s32 $0x0;
	s31 =	simm.s32 $0x6400;
	[tilespmem:$0x64F0] =	vst v0  }
0xb8: {  	[hbm4b:s2+s30] =	stream.linear.scatter [tilespmem:s31], [sflag:$0x2], $0x100, $0x38;
	[tilespmem:$0x8600] =	vst v63  }
0xb9: {  	_ =	swait.ge [sflag:s28], $0x100  }
0xba: {  	[sflag:s28] =	ssyncset.done $0x0  }
0xbb: {  	[sflag:s28] =	ssyncadd.s32 $0xFFFFFF00  }
.LBB2_8:
0xbc: {  	_ =	sfence.sel $0x180000  }
0xbd: {  	[bflag:$0x0] =	sbarrier.arrive $0xFFFF  }
0xbe: {  	p0 =	sne.s32 s1, $0x0;
	_ =	strace $0x90000047  }
0xbf: {  	s0 =	sadd.s32 @!p0 $0x100000, s0;
	[bflag:$0x2] =	sbarrier.arrive $0xFFFF  }
0xc0: {  	[sflag:s0] =	ssyncadd.tile.s32 @!p0 $0x1;
	_ =	shalt  }
.Lfunc_end2:
_tile_overlayer_lowered:
.L_overlay_start_2:
0xc1: {  	(tag) =	ssettag $0x2  }
0xc2: {  	s0 =	rddreg [dreg:$0x0];
	s2 =	stileid.u32  }
0xc3: {  	s1 =	rddreg [dreg:$0x1];
	p0 =	sne.s32 s2, $0x0  }
0xc4: {  	s3 =	rddreg [dreg:$0x2];
	[bflag:$0x3] =	sbarrier.arrive $0xFFFF;
	s2 =	simm.s32 @!p0 $0x1C02  }
0xc5: {  	[timem:s3], [sflag:s2] =	dma.local @!p0 [hbm:s0], s1  }
0xc6: {  	s0 =	simm.s32 @!p0 $0x2  }
0xc7: {  	_ =	swait.ge @!p0 [sflag:s0], s1  }
0xc8: {  	s1 =	ssub.s32 @!p0 $0x0, s1;
	[sflag:s0] =	ssyncset.done @!p0 $0x0  }
0xc9: {  	[sflag:s0] =	ssyncadd.s32 @!p0 s1  }
0xca: {  	[bflag:$0x3] =	sbarrier.arrive $0xFFFF  }
0xcb: {  	_ =	shalt  }

</sc_bundles>
